<compile_context>
chip_gen: v7x
topology: tpu7x:2x2x1
jax: 0.10.2.dev20260603
libtpu: 0.0.44.dev20260713+nightly
codegen_flags: <defaults>
</compile_context>

<pallas_src>
import functools

import jax
import jax.numpy as jnp
from jax import lax
from jax.experimental import pallas as pl
from jax.experimental.pallas import tpu as pltpu
from jax.experimental.pallas import tpu_sc as plsc

_BATCH = 64
_SEQ = 1025
_PATCH = _SEQ - 1
_KEEP = _PATCH // 2
_OUT = _KEEP + 1
_DIM = 768
_NW = 32
_BPW = _BATCH // _NW
_CH = 57
_NCH = _OUT // _CH
_L = 16
_NCHUNK = _PATCH // _L


def _select_and_gather(x_hbm, noise_hbm, out_hbm, noise_v, idx2d, rows_v, sem):
    cid = lax.axis_index("c")
    sid = lax.axis_index("s")
    wid = sid * 2 + cid
    lane = lax.iota(jnp.int32, _L)

    for r in range(_BPW):
        b = wid * _BPW + r
        pltpu.sync_copy(noise_hbm.at[b], noise_v)

        def bs_body(_, carry):
            lo, hi = carry
            mid = (lo + hi) >> 1
            pivot = plsc.bitcast(jnp.broadcast_to(mid, (_L,)), jnp.float32)

            def cnt_body(j, acc):
                v = noise_v[pl.ds(j * _L, _L)]
                return acc + (v < pivot).astype(jnp.int32)

            acc = lax.fori_loop(0, _NCHUNK, cnt_body,
                                jnp.zeros((_L,), jnp.int32))
            big = jnp.sum(acc) >= _KEEP
            return jnp.where(big, lo, mid), jnp.where(big, mid, hi)

        lo, _ = lax.fori_loop(0, 30, bs_body,
                              (jnp.int32(0), jnp.int32(1 << 30)))
        thr = plsc.bitcast(jnp.broadcast_to(lo, (_L,)), jnp.float32)

        def lt_body(j, acc):
            v = noise_v[pl.ds(j * _L, _L)]
            return acc + (v < thr).astype(jnp.int32)

        n_lt = jnp.sum(lax.fori_loop(0, _NCHUNK, lt_body,
                                     jnp.zeros((_L,), jnp.int32)))
        need = _KEEP - n_lt

        base_row = b * _SEQ
        idx2d[0, pl.ds(0, _L)] = jnp.broadcast_to(base_row, (_L,))

        def sc_body(j, carry):
            eqc, kc = carry
            v = noise_v[pl.ds(j * _L, _L)]
            lt = v < thr
            eq = v == thr
            eqi = eq.astype(jnp.int32)
            ecum = plsc.cumsum(eqi)
            keep = lt | (eq & ((eqc + ecum - eqi) < need))
            ki = keep.astype(jnp.int32)
            kcum = plsc.cumsum(ki)
            pos = kc + kcum - ki + 1
            val = base_row + j * _L + lane
            plsc.store_scatter(idx2d, [pos // _CH, pos % _CH], val, mask=keep)
            return eqc + ecum[_L - 1], kc + kcum[_L - 1]

        lax.fori_loop(0, _NCHUNK, sc_body, (jnp.int32(0), jnp.int32(0)))

        for c in range(_NCH):
            pltpu.async_copy(x_hbm.at[idx2d.at[c]], rows_v, sem).wait()
            pltpu.sync_copy(rows_v,
                            out_hbm.at[pl.ds(b * _OUT + c * _CH, _CH)])


_patch_dropout_sc = functools.partial(
    pl.kernel,
    out_type=jax.ShapeDtypeStruct((_BATCH * _OUT, _DIM), jnp.float32),
    mesh=plsc.VectorSubcoreMesh(core_axis_name="c", subcore_axis_name="s",
                                num_cores=2, num_subcores=16),
    scratch_types=[
        pltpu.VMEM((_PATCH,), jnp.float32),
        pltpu.VMEM((_NCH, _CH), jnp.int32),
        pltpu.VMEM((_CH, _DIM), jnp.float32),
        pltpu.SemaphoreType.DMA,
    ],
    compiler_params=pltpu.CompilerParams(use_tc_tiling_on_sc=False,
                                         needs_layout_passes=False),
)(_select_and_gather)


def kernel(x, force_drop, noise):
    del force_drop
    b, s, d = x.shape
    out_flat = _patch_dropout_sc(x.reshape(b * s, d), noise)
    return out_flat.reshape(b, _OUT, d)

# --- scband reference (transcript-rebuilt; emitter-appended) ---
"""Pipeline reference for scband-patch-dropout-12257836663439 (READ-ONLY COPY).

The authoritative reference and input builder live on the scoring server;
editing this copy changes nothing except your own understanding.
"""

import jax, jax.numpy as jnp
import numpy as np

KEEP_RATE = 0.5
BIAS = None
TOKEN_SHUFFLING = False

BATCH = 64
SEQ_LEN = 1025
DIM = 768


def setup_inputs(seed: int = 0) -> dict:
    key = jax.random.key(seed)
    k1, k2 = jax.random.split(key)
    x = jax.random.normal(k1, (BATCH, SEQ_LEN, DIM), dtype=jnp.float32)
    # internal randomness of PatchDropout.uniform_mask, materialized as an input
    noise = jax.random.uniform(k2, (BATCH, SEQ_LEN - 1), dtype=jnp.float32)
    return {"x": x, "force_drop": 1, "noise": noise}


def reference(x, force_drop, noise):
    # PatchDropout.forward with training/force_drop active and keep_rate < 1
    batch_sz, seq_len, dim = x.shape
    patch_len = seq_len - 1
    keep_len = int(patch_len * KEEP_RATE)
    n = noise if BIAS is None else noise + BIAS
    ids = jnp.argsort(n, axis=1)
    keep_ids = ids[:, :keep_len]
    if not TOKEN_SHUFFLING:
        keep_ids = jnp.sort(keep_ids, axis=1)
    cls_mask = jnp.zeros((batch_sz, 1), dtype=jnp.int64)
    patch_mask = jnp.concatenate([cls_mask, keep_ids.astype(jnp.int64)], axis=1)
    idx = jnp.broadcast_to(patch_mask[:, :, None], (batch_sz, keep_len + 1, dim))
    out = jnp.take_along_axis(x, idx, axis=1)
    return out

if __name__ == "__main__":
    import jax
    _d = setup_inputs()
    print(jax.jit(kernel)(*tuple(_d.values())))

</pallas_src>

<mosaic_0001>
#map = affine_map<(d0, d1) -> (0, 0)>
module attributes {stable_mosaic.version = 14 : i64} {
  func.func @_select_and_gather(%arg0: i32, %arg1: i32, %arg2: memref<65600x768xf32, #tpu.memory_space<hbm>>, %arg3: memref<64x1024xf32, #tpu.memory_space<hbm>>, %arg4: memref<32832x768xf32, #tpu.memory_space<hbm>>, %arg5: memref<1024xf32, #tpu.memory_space<vmem>>, %arg6: memref<9x57xi32, #tpu.memory_space<vmem>>, %arg7: memref<57x768xf32, #tpu.memory_space<vmem>>, %arg8: memref<!tpu.dma_semaphore, #tpu.memory_space<semaphore_mem>>) attributes {dimension_semantics = [#tpu.dimension_semantics<core_parallel>, #tpu.dimension_semantics<subcore_parallel>], iteration_bounds = array<i64: 2, 16>, scalar_prefetch = 0 : i64, scratch_operands = 4 : i64, tpu.core_type = #tpu.core_type<sc_vector_subcore>, window_params = [{transform_indices = #map}, {transform_indices = #map}, {transform_indices = #map}]} {
    %mul3A = arith.constant 2 : i32
    %mul3A_0 = arith.muli %arg1, %mul3A : i32
    %add3A = arith.addi %mul3A_0, %arg0 : i32
    %iota3A = tpu.iota {dimensions = array<i32: 0>} : vector<16xi32>
    %mul3A_1 = arith.constant 2 : i32
    %mul3A_2 = arith.muli %add3A, %mul3A_1 : i32
    %add3A_3 = arith.constant 0 : i32
    %add3A_4 = arith.addi %mul3A_2, %add3A_3 : i32
    "tpu.region"() ({
      %run_scoped3A = tpu.sem_alloc : memref<!tpu.dma_semaphore, #tpu.memory_space<semaphore_mem>>
      %dma_start3A_403 = arith.constant 0 : i32
      %dma_start3A_404 = tpu.memref_slice %arg3[%add3A_4, %dma_start3A_403] : memref<64x1024xf32, #tpu.memory_space<hbm>> -> memref<1x1024xf32, #tpu.memory_space<hbm>>
      %dma_start3A_405 = tpu.memref_squeeze %dma_start3A_404 : memref<1x1024xf32, #tpu.memory_space<hbm>> -> memref<1024xf32, #tpu.memory_space<hbm>>
      %dma_start3A_406 = arith.constant 0 : i32
      %dma_start3A_407 = tpu.memref_slice %arg3[%add3A_4, %dma_start3A_406] : memref<64x1024xf32, #tpu.memory_space<hbm>> -> memref<1x1024xf32, #tpu.memory_space<hbm>>
      %dma_start3A_408 = tpu.memref_squeeze %dma_start3A_407 : memref<1x1024xf32, #tpu.memory_space<hbm>> -> memref<1024xf32, #tpu.memory_space<hbm>>
      tpu.enqueue_dma source(%dma_start3A_408 : memref<1024xf32, #tpu.memory_space<hbm>>) target(%arg5 : memref<1024xf32, #tpu.memory_space<vmem>>) target_semaphore(%run_scoped3A : memref<!tpu.dma_semaphore, #tpu.memory_space<semaphore_mem>>)
      %dma_wait3A_409 = arith.constant 0 : i32
      %dma_wait3A_410 = tpu.memref_slice %arg3[%add3A_4, %dma_wait3A_409] : memref<64x1024xf32, #tpu.memory_space<hbm>> -> memref<1x1024xf32, #tpu.memory_space<hbm>>
      %dma_wait3A_411 = tpu.memref_squeeze %dma_wait3A_410 : memref<1x1024xf32, #tpu.memory_space<hbm>> -> memref<1024xf32, #tpu.memory_space<hbm>>
      %dma_wait3A_412 = arith.constant 0 : i32
      %dma_wait3A_413 = tpu.memref_slice %arg3[%add3A_4, %dma_wait3A_412] : memref<64x1024xf32, #tpu.memory_space<hbm>> -> memref<1x1024xf32, #tpu.memory_space<hbm>>
      %dma_wait3A_414 = tpu.memref_squeeze %dma_wait3A_413 : memref<1x1024xf32, #tpu.memory_space<hbm>> -> memref<1024xf32, #tpu.memory_space<hbm>>
      tpu.wait_dma2 semaphore(%run_scoped3A : memref<!tpu.dma_semaphore, #tpu.memory_space<semaphore_mem>>) src(%dma_wait3A_414 : memref<1024xf32, #tpu.memory_space<hbm>>) dst(%arg5 : memref<1024xf32, #tpu.memory_space<vmem>>)
      tpu.yield
    }) : () -> ()
    %scan3A = arith.constant 0 : i32
    %scan3A_5 = arith.constant 1073741824 : i32
    %scan3A_6 = arith.constant 0 : i32
    %scan3A_7 = arith.constant 30 : i32
    %scan3A_8 = arith.addi %scan3A_6, %scan3A_7 : i32
    %scan3A_9 = arith.constant 1 : i32
    %scan3A_10:2 = scf.for %scan3A_403 = %scan3A_6 to %scan3A_8 step %scan3A_9 iter_args(%scan3A_404 = %scan3A, %scan3A_405 = %scan3A_5) -> (i32, i32)  : i32 {
      %add3A_406 = arith.addi %scan3A_404, %scan3A_405 : i32
      %shift_right_arithmetic3A = arith.constant 1 : i32
      %shift_right_arithmetic3A_407 = arith.shrsi %add3A_406, %shift_right_arithmetic3A : i32
      %broadcast_in_dim3A_408 = vector.broadcast %shift_right_arithmetic3A_407 : i32 to vector<16xi32>
      %bitcast3A_409 = vector.bitcast %broadcast_in_dim3A_408 : vector<16xi32> to vector<16xf32>
      %broadcast_in_dim3A_410 = arith.constant 0 : i32
      %broadcast_in_dim3A_411 = vector.broadcast %broadcast_in_dim3A_410 : i32 to vector<16xi32>
      %scan3A_412 = arith.constant 0 : i32
      %scan3A_413 = arith.constant 64 : i32
      %scan3A_414 = arith.addi %scan3A_412, %scan3A_413 : i32
      %scan3A_415 = arith.constant 1 : i32
      %scan3A_416 = scf.for %scan3A_424 = %scan3A_412 to %scan3A_414 step %scan3A_415 iter_args(%scan3A_425 = %broadcast_in_dim3A_411) -> (vector<16xi32>)  : i32 {
        %mul3A_426 = arith.constant 16 : i32
        %mul3A_427 = arith.muli %scan3A_424, %mul3A_426 : i32
        %get3A = arith.index_cast %mul3A_427 : i32 to index
        %get3A_428 = tpu.vector_load %arg5[%get3A] {strides = array<i32>} : memref<1024xf32, #tpu.memory_space<vmem>>, vector<16xf32>,
        %lt3A = arith.cmpf olt, %get3A_428, %bitcast3A_409 : vector<16xf32>
        %convert_element_type3A = arith.extui %lt3A : vector<16xi1> to vector<16xi32>
        %add3A_429 = arith.addi %scan3A_425, %convert_element_type3A : vector<16xi32>
        scf.yield %add3A_429 : vector<16xi32>
      }
      %scan3A_417 = arith.constant 64 : i32
      %reduce_sum3A_418 = arith.constant true
      %reduce_sum3A_419 = vector.broadcast %reduce_sum3A_418 : i1 to vector<16xi1>
      %reduce_sum3A_420 = tpu.scan <sum>, %scan3A_416 masked %reduce_sum3A_419 : vector<16xi32>, vector<16xi1> -> vector<16xi32>
      %reduce_sum3A_421 = vector.extract %reduce_sum3A_420[15] : i32 from vector<16xi32>
      %ge3A = arith.constant 512 : i32
      %ge3A_422 = arith.cmpi sge, %reduce_sum3A_421, %ge3A : i32
      %select_n3A = arith.select %ge3A_422, %scan3A_404, %shift_right_arithmetic3A_407 : i32
      %select_n3A_423 = arith.select %ge3A_422, %shift_right_arithmetic3A_407, %scan3A_405 : i32
      scf.yield %select_n3A, %select_n3A_423 : i32, i32
    }
    %scan3A_11 = arith.constant 30 : i32
    %broadcast_in_dim3A = vector.broadcast %scan3A_10#0 : i32 to vector<16xi32>
    %bitcast3A = vector.bitcast %broadcast_in_dim3A : vector<16xi32> to vector<16xf32>
    %broadcast_in_dim3A_12 = arith.constant 0 : i32
    %broadcast_in_dim3A_13 = vector.broadcast %broadcast_in_dim3A_12 : i32 to vector<16xi32>
    %scan3A_14 = arith.constant 0 : i32
    %scan3A_15 = arith.constant 64 : i32
    %scan3A_16 = arith.addi %scan3A_14, %scan3A_15 : i32
    %scan3A_17 = arith.constant 1 : i32
    %scan3A_18 = scf.for %scan3A_403 = %scan3A_14 to %scan3A_16 step %scan3A_17 iter_args(%scan3A_404 = %broadcast_in_dim3A_13) -> (vector<16xi32>)  : i32 {
      %mul3A_405 = arith.constant 16 : i32
      %mul3A_406 = arith.muli %scan3A_403, %mul3A_405 : i32
      %get3A = arith.index_cast %mul3A_406 : i32 to index
      %get3A_407 = tpu.vector_load %arg5[%get3A] {strides = array<i32>} : memref<1024xf32, #tpu.memory_space<vmem>>, vector<16xf32>,
      %lt3A = arith.cmpf olt, %get3A_407, %bitcast3A : vector<16xf32>
      %convert_element_type3A = arith.extui %lt3A : vector<16xi1> to vector<16xi32>
      %add3A_408 = arith.addi %scan3A_404, %convert_element_type3A : vector<16xi32>
      scf.yield %add3A_408 : vector<16xi32>
    }
    %scan3A_19 = arith.constant 64 : i32
    %reduce_sum3A = arith.constant true
    %reduce_sum3A_20 = vector.broadcast %reduce_sum3A : i1 to vector<16xi1>
    %reduce_sum3A_21 = tpu.scan <sum>, %scan3A_18 masked %reduce_sum3A_20 : vector<16xi32>, vector<16xi1> -> vector<16xi32>
    %reduce_sum3A_22 = vector.extract %reduce_sum3A_21[15] : i32 from vector<16xi32>
    %sub3A = arith.constant 512 : i32
    %sub3A_23 = arith.subi %sub3A, %reduce_sum3A_22 : i32
    %mul3A_24 = arith.constant 1025 : i32
    %mul3A_25 = arith.muli %add3A_4, %mul3A_24 : i32
    %broadcast_in_dim3A_26 = vector.broadcast %mul3A_25 : i32 to vector<16xi32>
    %swap3A = arith.constant 0 : i32
    %swap3A_27 = arith.index_cast %swap3A : i32 to index
    %swap3A_28 = arith.constant 0 : index
    %swap3A_29 = tpu.vector_load %arg6[%swap3A_27, %swap3A_28] {strides = array<i32>} : memref<9x57xi32, #tpu.memory_space<vmem>>, vector<16xi32>,
    tpu.vector_store %arg6[%swap3A_27, %swap3A_28], %broadcast_in_dim3A_26 {strides = array<i32>} : memref<9x57xi32, #tpu.memory_space<vmem>>, vector<16xi32>,
    %scan3A_30 = arith.constant 0 : i32
    %scan3A_31 = arith.constant 0 : i32
    %scan3A_32 = arith.constant 0 : i32
    %scan3A_33 = arith.constant 64 : i32
    %scan3A_34 = arith.addi %scan3A_32, %scan3A_33 : i32
    %scan3A_35 = arith.constant 1 : i32
    %scan3A_36:2 = scf.for %scan3A_403 = %scan3A_32 to %scan3A_34 step %scan3A_35 iter_args(%scan3A_404 = %scan3A_30, %scan3A_405 = %scan3A_31) -> (i32, i32)  : i32 {
      %mul3A_406 = arith.constant 16 : i32
      %mul3A_407 = arith.muli %scan3A_403, %mul3A_406 : i32
      %get3A = arith.index_cast %mul3A_407 : i32 to index
      %get3A_408 = tpu.vector_load %arg5[%get3A] {strides = array<i32>} : memref<1024xf32, #tpu.memory_space<vmem>>, vector<16xf32>,
      %lt3A = arith.cmpf olt, %get3A_408, %bitcast3A : vector<16xf32>
      %eq3A = arith.cmpf oeq, %get3A_408, %bitcast3A : vector<16xf32>
      %convert_element_type3A = arith.extui %eq3A : vector<16xi1> to vector<16xi32>
      %broadcast_in_dim3A_409 = arith.constant true
      %broadcast_in_dim3A_410 = vector.broadcast %broadcast_in_dim3A_409 : i1 to vector<16xi1>
      %masked_cumsum3A = tpu.scan <sum>, %convert_element_type3A masked %broadcast_in_dim3A_410 : vector<16xi32>, vector<16xi1> -> vector<16xi32>
      %add3A_411 = vector.broadcast %scan3A_404 : i32 to vector<16xi32>
      %add3A_412 = arith.addi %add3A_411, %masked_cumsum3A : vector<16xi32>
      %sub3A_413 = arith.subi %add3A_412, %convert_element_type3A : vector<16xi32>
      %lt3A_414 = vector.broadcast %sub3A_23 : i32 to vector<16xi32>
      %lt3A_415 = arith.cmpi slt, %sub3A_413, %lt3A_414 : vector<16xi32>
      %and3A = arith.andi %eq3A, %lt3A_415 : vector<16xi1>
      %or3A = arith.ori %lt3A, %and3A : vector<16xi1>
      %convert_element_type3A_416 = arith.extui %or3A : vector<16xi1> to vector<16xi32>
      %broadcast_in_dim3A_417 = arith.constant true
      %broadcast_in_dim3A_418 = vector.broadcast %broadcast_in_dim3A_417 : i1 to vector<16xi1>
      %masked_cumsum3A_419 = tpu.scan <sum>, %convert_element_type3A_416 masked %broadcast_in_dim3A_418 : vector<16xi32>, vector<16xi1> -> vector<16xi32>
      %add3A_420 = vector.broadcast %scan3A_405 : i32 to vector<16xi32>
      %add3A_421 = arith.addi %add3A_420, %masked_cumsum3A_419 : vector<16xi32>
      %sub3A_422 = arith.subi %add3A_421, %convert_element_type3A_416 : vector<16xi32>
      %add3A_423 = arith.constant 1 : i32
      %add3A_424 = vector.broadcast %add3A_423 : i32 to vector<16xi32>
      %add3A_425 = arith.addi %sub3A_422, %add3A_424 : vector<16xi32>
      %mul3A_426 = arith.constant 16 : i32
      %mul3A_427 = arith.muli %scan3A_403, %mul3A_426 : i32
      %add3A_428 = arith.addi %mul3A_25, %mul3A_427 : i32
      %add3A_429 = vector.broadcast %add3A_428 : i32 to vector<16xi32>
      %add3A_430 = arith.addi %add3A_429, %iota3A : vector<16xi32>
      %jit3A = arith.constant 57 : i32
      %div3A = vector.broadcast %jit3A : i32 to vector<16xi32>
      %div3A_431 = arith.divsi %add3A_425, %div3A : vector<16xi32>
      %sign3A = arith.constant 0 : i32
      %sign3A_432 = vector.broadcast %sign3A : i32 to vector<16xi32>
      %sign3A_433 = arith.cmpi sgt, %add3A_425, %sign3A_432 : vector<16xi32>
      %sign3A_434 = arith.extui %sign3A_433 : vector<16xi1> to vector<16xi32>
      %sign3A_435 = arith.constant 0 : i32
      %sign3A_436 = vector.broadcast %sign3A_435 : i32 to vector<16xi32>
      %sign3A_437 = arith.cmpi slt, %add3A_425, %sign3A_436 : vector<16xi32>
      %sign3A_438 = arith.extui %sign3A_437 : vector<16xi1> to vector<16xi32>
      %sign3A_439 = arith.subi %sign3A_434, %sign3A_438 : vector<16xi32>
      %sign3A_440 = arith.constant 0 : i32
      %sign3A_441 = arith.cmpi sgt, %jit3A, %sign3A_440 : i32
      %sign3A_442 = arith.extui %sign3A_441 : i1 to i32
      %sign3A_443 = arith.constant 0 : i32
      %sign3A_444 = arith.cmpi slt, %jit3A, %sign3A_443 : i32
      %sign3A_445 = arith.extui %sign3A_444 : i1 to i32
      %sign3A_446 = arith.subi %sign3A_442, %sign3A_445 : i32
      %ne3A = vector.broadcast %sign3A_446 : i32 to vector<16xi32>
      %ne3A_447 = arith.cmpi ne, %sign3A_439, %ne3A : vector<16xi32>
      %rem3A = vector.broadcast %jit3A : i32 to vector<16xi32>
      %rem3A_448 = arith.remsi %add3A_425, %rem3A : vector<16xi32>
      %ne3A_449 = arith.constant 0 : i32
      %ne3A_450 = vector.broadcast %ne3A_449 : i32 to vector<16xi32>
      %ne3A_451 = arith.cmpi ne, %rem3A_448, %ne3A_450 : vector<16xi32>
      %and3A_452 = arith.andi %ne3A_447, %ne3A_451 : vector<16xi1>
      %sub3A_453 = arith.constant 1 : i32
      %sub3A_454 = vector.broadcast %sub3A_453 : i32 to vector<16xi32>
      %sub3A_455 = arith.subi %div3A_431, %sub3A_454 : vector<16xi32>
      %select_n3A = arith.select %and3A_452, %sub3A_455, %div3A_431 : vector<16xi1>, vector<16xi32>
      %jit3A_456 = arith.constant 57 : i32
      %eq3A_457 = arith.constant 0 : i32
      %eq3A_458 = arith.cmpi eq, %jit3A_456, %eq3A_457 : i32
      %jit3A_459 = arith.constant 1 : i32
      %select_n3A_460 = arith.select %eq3A_458, %jit3A_459, %jit3A_456 : i32
      %rem3A_461 = vector.broadcast %select_n3A_460 : i32 to vector<16xi32>
      %rem3A_462 = arith.remsi %add3A_425, %rem3A_461 : vector<16xi32>
      %ne3A_463 = arith.constant 0 : i32
      %ne3A_464 = vector.broadcast %ne3A_463 : i32 to vector<16xi32>
      %ne3A_465 = arith.cmpi ne, %rem3A_462, %ne3A_464 : vector<16xi32>
      %lt3A_466 = arith.constant 0 : i32
      %lt3A_467 = vector.broadcast %lt3A_466 : i32 to vector<16xi32>
      %lt3A_468 = arith.cmpi slt, %rem3A_462, %lt3A_467 : vector<16xi32>
      %lt3A_469 = arith.constant 0 : i32
      %lt3A_470 = arith.cmpi slt, %select_n3A_460, %lt3A_469 : i32
      %ne3A_471 = vector.broadcast %lt3A_470 : i1 to vector<16xi1>
      %ne3A_472 = vector.broadcast %ne3A_471 : vector<16xi1> to vector<16xi1>
      %ne3A_473 = arith.xori %lt3A_468, %ne3A_472 : vector<16xi1>
      %and3A_474 = arith.andi %ne3A_473, %ne3A_465 : vector<16xi1>
      %add3A_475 = vector.broadcast %select_n3A_460 : i32 to vector<16xi32>
      %add3A_476 = arith.addi %rem3A_462, %add3A_475 : vector<16xi32>
      %select_n3A_477 = arith.select %and3A_474, %add3A_476, %rem3A_462 : vector<16xi1>, vector<16xi32>
      tpu.vector_store_idx %arg6[%select_n3A, %select_n3A_477], %add3A_430 masked %or3A : memref<9x57xi32, #tpu.memory_space<vmem>>[vector<16xi32>, vector<16xi32>], vector<16xi32>, vector<16xi1>
      %slice3A = vector.extract_strided_slice %masked_cumsum3A {offsets = [15], sizes = [1], strides = [1]} : vector<16xi32> to vector<1xi32>
      %squeeze3A = vector.extract %slice3A[0] : i32 from vector<1xi32>
      %add3A_478 = arith.addi %scan3A_404, %squeeze3A : i32
      %slice3A_479 = vector.extract_strided_slice %masked_cumsum3A_419 {offsets = [15], sizes = [1], strides = [1]} : vector<16xi32> to vector<1xi32>
      %squeeze3A_480 = vector.extract %slice3A_479[0] : i32 from vector<1xi32>
      %add3A_481 = arith.addi %scan3A_405, %squeeze3A_480 : i32
      scf.yield %add3A_478, %add3A_481 : i32, i32
    }
    %scan3A_37 = arith.constant 64 : i32
    %dma_start3A = arith.constant 0 : i32
    %dma_start3A_38 = arith.constant 0 : i32
    %dma_start3A_39 = tpu.memref_slice %arg6[%dma_start3A, %dma_start3A_38] : memref<9x57xi32, #tpu.memory_space<vmem>> -> memref<1x57xi32, #tpu.memory_space<vmem>>
    %dma_start3A_40 = tpu.memref_squeeze %dma_start3A_39 : memref<1x57xi32, #tpu.memory_space<vmem>> -> memref<57xi32, #tpu.memory_space<vmem>>
    %dma_start3A_41 = arith.constant 0 : i32
    %dma_start3A_42 = arith.constant 0 : i32
    %dma_start3A_43 = tpu.memref_slice %arg2[%dma_start3A_41, %dma_start3A_42] : memref<65600x768xf32, #tpu.memory_space<hbm>> -> memref<65600x768xf32, #tpu.memory_space<hbm>>
    tpu.enqueue_indirect_dma source(%dma_start3A_43 : memref<65600x768xf32, #tpu.memory_space<hbm>>) target(%arg7 : memref<57x768xf32, #tpu.memory_space<vmem>>) offsets(%dma_start3A_40 : memref<57xi32, #tpu.memory_space<vmem>>) semaphore(%arg8 : memref<!tpu.dma_semaphore, #tpu.memory_space<semaphore_mem>>)
    %dma_wait3A = arith.constant 0 : i32
    %dma_wait3A_44 = arith.constant 0 : i32
    %dma_wait3A_45 = tpu.memref_slice %arg6[%dma_wait3A, %dma_wait3A_44] : memref<9x57xi32, #tpu.memory_space<vmem>> -> memref<1x57xi32, #tpu.memory_space<vmem>>
    %dma_wait3A_46 = tpu.memref_squeeze %dma_wait3A_45 : memref<1x57xi32, #tpu.memory_space<vmem>> -> memref<57xi32, #tpu.memory_space<vmem>>
    %dma_wait3A_47 = arith.constant 0 : i32
    %dma_wait3A_48 = arith.constant 0 : i32
    %dma_wait3A_49 = tpu.memref_slice %arg2[%dma_wait3A_47, %dma_wait3A_48] : memref<65600x768xf32, #tpu.memory_space<hbm>> -> memref<65600x768xf32, #tpu.memory_space<hbm>>
    tpu.wait_indirect_dma semaphore(%arg8 : memref<!tpu.dma_semaphore, #tpu.memory_space<semaphore_mem>>) src(%dma_wait3A_49 : memref<65600x768xf32, #tpu.memory_space<hbm>>) dst(%arg7 : memref<57x768xf32, #tpu.memory_space<vmem>>)
    %mul3A_50 = arith.constant 513 : i32
    %mul3A_51 = arith.muli %add3A_4, %mul3A_50 : i32
    %add3A_52 = arith.constant 0 : i32
    %add3A_53 = arith.addi %mul3A_51, %add3A_52 : i32
    "tpu.region"() ({
      %run_scoped3A = tpu.sem_alloc : memref<!tpu.dma_semaphore, #tpu.memory_space<semaphore_mem>>
      %dma_start3A_403 = arith.constant 0 : i32
      %dma_start3A_404 = tpu.memref_slice %arg4[%add3A_53, %dma_start3A_403] : memref<32832x768xf32, #tpu.memory_space<hbm>> -> memref<57x768xf32, #tpu.memory_space<hbm>>
      %dma_start3A_405 = arith.constant 0 : i32
      %dma_start3A_406 = tpu.memref_slice %arg4[%add3A_53, %dma_start3A_405] : memref<32832x768xf32, #tpu.memory_space<hbm>> -> memref<57x768xf32, #tpu.memory_space<hbm>>
      tpu.enqueue_dma source(%arg7 : memref<57x768xf32, #tpu.memory_space<vmem>>) target(%dma_start3A_406 : memref<57x768xf32, #tpu.memory_space<hbm>>) target_semaphore(%run_scoped3A : memref<!tpu.dma_semaphore, #tpu.memory_space<semaphore_mem>>)
      %dma_wait3A_407 = arith.constant 0 : i32
      %dma_wait3A_408 = tpu.memref_slice %arg4[%add3A_53, %dma_wait3A_407] : memref<32832x768xf32, #tpu.memory_space<hbm>> -> memref<57x768xf32, #tpu.memory_space<hbm>>
      %dma_wait3A_409 = arith.constant 0 : i32
      %dma_wait3A_410 = tpu.memref_slice %arg4[%add3A_53, %dma_wait3A_409] : memref<32832x768xf32, #tpu.memory_space<hbm>> -> memref<57x768xf32, #tpu.memory_space<hbm>>
      tpu.wait_dma2 semaphore(%run_scoped3A : memref<!tpu.dma_semaphore, #tpu.memory_space<semaphore_mem>>) src(%arg7 : memref<57x768xf32, #tpu.memory_space<vmem>>) dst(%dma_wait3A_410 : memref<57x768xf32, #tpu.memory_space<hbm>>)
      tpu.yield
    }) : () -> ()
    %dma_start3A_54 = arith.constant 1 : i32
    %dma_start3A_55 = arith.constant 0 : i32
    %dma_start3A_56 = tpu.memref_slice %arg6[%dma_start3A_54, %dma_start3A_55] : memref<9x57xi32, #tpu.memory_space<vmem>> -> memref<1x57xi32, #tpu.memory_space<vmem>>
    %dma_start3A_57 = tpu.memref_squeeze %dma_start3A_56 : memref<1x57xi32, #tpu.memory_space<vmem>> -> memref<57xi32, #tpu.memory_space<vmem>>
    %dma_start3A_58 = arith.constant 0 : i32
    %dma_start3A_59 = arith.constant 0 : i32
    %dma_start3A_60 = tpu.memref_slice %arg2[%dma_start3A_58, %dma_start3A_59] : memref<65600x768xf32, #tpu.memory_space<hbm>> -> memref<65600x768xf32, #tpu.memory_space<hbm>>
    tpu.enqueue_indirect_dma source(%dma_start3A_60 : memref<65600x768xf32, #tpu.memory_space<hbm>>) target(%arg7 : memref<57x768xf32, #tpu.memory_space<vmem>>) offsets(%dma_start3A_57 : memref<57xi32, #tpu.memory_space<vmem>>) semaphore(%arg8 : memref<!tpu.dma_semaphore, #tpu.memory_space<semaphore_mem>>)
    %dma_wait3A_61 = arith.constant 1 : i32
    %dma_wait3A_62 = arith.constant 0 : i32
    %dma_wait3A_63 = tpu.memref_slice %arg6[%dma_wait3A_61, %dma_wait3A_62] : memref<9x57xi32, #tpu.memory_space<vmem>> -> memref<1x57xi32, #tpu.memory_space<vmem>>
    %dma_wait3A_64 = tpu.memref_squeeze %dma_wait3A_63 : memref<1x57xi32, #tpu.memory_space<vmem>> -> memref<57xi32, #tpu.memory_space<vmem>>
    %dma_wait3A_65 = arith.constant 0 : i32
    %dma_wait3A_66 = arith.constant 0 : i32
    %dma_wait3A_67 = tpu.memref_slice %arg2[%dma_wait3A_65, %dma_wait3A_66] : memref<65600x768xf32, #tpu.memory_space<hbm>> -> memref<65600x768xf32, #tpu.memory_space<hbm>>
    tpu.wait_indirect_dma semaphore(%arg8 : memref<!tpu.dma_semaphore, #tpu.memory_space<semaphore_mem>>) src(%dma_wait3A_67 : memref<65600x768xf32, #tpu.memory_space<hbm>>) dst(%arg7 : memref<57x768xf32, #tpu.memory_space<vmem>>)
    %mul3A_68 = arith.constant 513 : i32
    %mul3A_69 = arith.muli %add3A_4, %mul3A_68 : i32
    %add3A_70 = arith.constant 57 : i32
    %add3A_71 = arith.addi %mul3A_69, %add3A_70 : i32
    "tpu.region"() ({
      %run_scoped3A = tpu.sem_alloc : memref<!tpu.dma_semaphore, #tpu.memory_space<semaphore_mem>>
      %dma_start3A_403 = arith.constant 0 : i32
      %dma_start3A_404 = tpu.memref_slice %arg4[%add3A_71, %dma_start3A_403] : memref<32832x768xf32, #tpu.memory_space<hbm>> -> memref<57x768xf32, #tpu.memory_space<hbm>>
      %dma_start3A_405 = arith.constant 0 : i32
      %dma_start3A_406 = tpu.memref_slice %arg4[%add3A_71, %dma_start3A_405] : memref<32832x768xf32, #tpu.memory_space<hbm>> -> memref<57x768xf32, #tpu.memory_space<hbm>>
      tpu.enqueue_dma source(%arg7 : memref<57x768xf32, #tpu.memory_space<vmem>>) target(%dma_start3A_406 : memref<57x768xf32, #tpu.memory_space<hbm>>) target_semaphore(%run_scoped3A : memref<!tpu.dma_semaphore, #tpu.memory_space<semaphore_mem>>)
      %dma_wait3A_407 = arith.constant 0 : i32
      %dma_wait3A_408 = tpu.memref_slice %arg4[%add3A_71, %dma_wait3A_407] : memref<32832x768xf32, #tpu.memory_space<hbm>> -> memref<57x768xf32, #tpu.memory_space<hbm>>
      %dma_wait3A_409 = arith.constant 0 : i32
      %dma_wait3A_410 = tpu.memref_slice %arg4[%add3A_71, %dma_wait3A_409] : memref<32832x768xf32, #tpu.memory_space<hbm>> -> memref<57x768xf32, #tpu.memory_space<hbm>>
      tpu.wait_dma2 semaphore(%run_scoped3A : memref<!tpu.dma_semaphore, #tpu.memory_space<semaphore_mem>>) src(%arg7 : memref<57x768xf32, #tpu.memory_space<vmem>>) dst(%dma_wait3A_410 : memref<57x768xf32, #tpu.memory_space<hbm>>)
      tpu.yield
    }) : () -> ()
    %dma_start3A_72 = arith.constant 2 : i32
    %dma_start3A_73 = arith.constant 0 : i32
    %dma_start3A_74 = tpu.memref_slice %arg6[%dma_start3A_72, %dma_start3A_73] : memref<9x57xi32, #tpu.memory_space<vmem>> -> memref<1x57xi32, #tpu.memory_space<vmem>>
    %dma_start3A_75 = tpu.memref_squeeze %dma_start3A_74 : memref<1x57xi32, #tpu.memory_space<vmem>> -> memref<57xi32, #tpu.memory_space<vmem>>
    %dma_start3A_76 = arith.constant 0 : i32
    %dma_start3A_77 = arith.constant 0 : i32
    %dma_start3A_78 = tpu.memref_slice %arg2[%dma_start3A_76, %dma_start3A_77] : memref<65600x768xf32, #tpu.memory_space<hbm>> -> memref<65600x768xf32, #tpu.memory_space<hbm>>
    tpu.enqueue_indirect_dma source(%dma_start3A_78 : memref<65600x768xf32, #tpu.memory_space<hbm>>) target(%arg7 : memref<57x768xf32, #tpu.memory_space<vmem>>) offsets(%dma_start3A_75 : memref<57xi32, #tpu.memory_space<vmem>>) semaphore(%arg8 : memref<!tpu.dma_semaphore, #tpu.memory_space<semaphore_mem>>)
    %dma_wait3A_79 = arith.constant 2 : i32
    %dma_wait3A_80 = arith.constant 0 : i32
    %dma_wait3A_81 = tpu.memref_slice %arg6[%dma_wait3A_79, %dma_wait3A_80] : memref<9x57xi32, #tpu.memory_space<vmem>> -> memref<1x57xi32, #tpu.memory_space<vmem>>
    %dma_wait3A_82 = tpu.memref_squeeze %dma_wait3A_81 : memref<1x57xi32, #tpu.memory_space<vmem>> -> memref<57xi32, #tpu.memory_space<vmem>>
    %dma_wait3A_83 = arith.constant 0 : i32
    %dma_wait3A_84 = arith.constant 0 : i32
    %dma_wait3A_85 = tpu.memref_slice %arg2[%dma_wait3A_83, %dma_wait3A_84] : memref<65600x768xf32, #tpu.memory_space<hbm>> -> memref<65600x768xf32, #tpu.memory_space<hbm>>
    tpu.wait_indirect_dma semaphore(%arg8 : memref<!tpu.dma_semaphore, #tpu.memory_space<semaphore_mem>>) src(%dma_wait3A_85 : memref<65600x768xf32, #tpu.memory_space<hbm>>) dst(%arg7 : memref<57x768xf32, #tpu.memory_space<vmem>>)
    %mul3A_86 = arith.constant 513 : i32
    %mul3A_87 = arith.muli %add3A_4, %mul3A_86 : i32
    %add3A_88 = arith.constant 114 : i32
    %add3A_89 = arith.addi %mul3A_87, %add3A_88 : i32
    "tpu.region"() ({
      %run_scoped3A = tpu.sem_alloc : memref<!tpu.dma_semaphore, #tpu.memory_space<semaphore_mem>>
      %dma_start3A_403 = arith.constant 0 : i32
      %dma_start3A_404 = tpu.memref_slice %arg4[%add3A_89, %dma_start3A_403] : memref<32832x768xf32, #tpu.memory_space<hbm>> -> memref<57x768xf32, #tpu.memory_space<hbm>>
      %dma_start3A_405 = arith.constant 0 : i32
      %dma_start3A_406 = tpu.memref_slice %arg4[%add3A_89, %dma_start3A_405] : memref<32832x768xf32, #tpu.memory_space<hbm>> -> memref<57x768xf32, #tpu.memory_space<hbm>>
      tpu.enqueue_dma source(%arg7 : memref<57x768xf32, #tpu.memory_space<vmem>>) target(%dma_start3A_406 : memref<57x768xf32, #tpu.memory_space<hbm>>) target_semaphore(%run_scoped3A : memref<!tpu.dma_semaphore, #tpu.memory_space<semaphore_mem>>)
      %dma_wait3A_407 = arith.constant 0 : i32
      %dma_wait3A_408 = tpu.memref_slice %arg4[%add3A_89, %dma_wait3A_407] : memref<32832x768xf32, #tpu.memory_space<hbm>> -> memref<57x768xf32, #tpu.memory_space<hbm>>
      %dma_wait3A_409 = arith.constant 0 : i32
      %dma_wait3A_410 = tpu.memref_slice %arg4[%add3A_89, %dma_wait3A_409] : memref<32832x768xf32, #tpu.memory_space<hbm>> -> memref<57x768xf32, #tpu.memory_space<hbm>>
      tpu.wait_dma2 semaphore(%run_scoped3A : memref<!tpu.dma_semaphore, #tpu.memory_space<semaphore_mem>>) src(%arg7 : memref<57x768xf32, #tpu.memory_space<vmem>>) dst(%dma_wait3A_410 : memref<57x768xf32, #tpu.memory_space<hbm>>)
      tpu.yield
    }) : () -> ()
    %dma_start3A_90 = arith.constant 3 : i32
    %dma_start3A_91 = arith.constant 0 : i32
    %dma_start3A_92 = tpu.memref_slice %arg6[%dma_start3A_90, %dma_start3A_91] : memref<9x57xi32, #tpu.memory_space<vmem>> -> memref<1x57xi32, #tpu.memory_space<vmem>>
    %dma_start3A_93 = tpu.memref_squeeze %dma_start3A_92 : memref<1x57xi32, #tpu.memory_space<vmem>> -> memref<57xi32, #tpu.memory_space<vmem>>
    %dma_start3A_94 = arith.constant 0 : i32
    %dma_start3A_95 = arith.constant 0 : i32
    %dma_start3A_96 = tpu.memref_slice %arg2[%dma_start3A_94, %dma_start3A_95] : memref<65600x768xf32, #tpu.memory_space<hbm>> -> memref<65600x768xf32, #tpu.memory_space<hbm>>
    tpu.enqueue_indirect_dma source(%dma_start3A_96 : memref<65600x768xf32, #tpu.memory_space<hbm>>) target(%arg7 : memref<57x768xf32, #tpu.memory_space<vmem>>) offsets(%dma_start3A_93 : memref<57xi32, #tpu.memory_space<vmem>>) semaphore(%arg8 : memref<!tpu.dma_semaphore, #tpu.memory_space<semaphore_mem>>)
    %dma_wait3A_97 = arith.constant 3 : i32
    %dma_wait3A_98 = arith.constant 0 : i32
    %dma_wait3A_99 = tpu.memref_slice %arg6[%dma_wait3A_97, %dma_wait3A_98] : memref<9x57xi32, #tpu.memory_space<vmem>> -> memref<1x57xi32, #tpu.memory_space<vmem>>
    %dma_wait3A_100 = tpu.memref_squeeze %dma_wait3A_99 : memref<1x57xi32, #tpu.memory_space<vmem>> -> memref<57xi32, #tpu.memory_space<vmem>>
    %dma_wait3A_101 = arith.constant 0 : i32
    %dma_wait3A_102 = arith.constant 0 : i32
    %dma_wait3A_103 = tpu.memref_slice %arg2[%dma_wait3A_101, %dma_wait3A_102] : memref<65600x768xf32, #tpu.memory_space<hbm>> -> memref<65600x768xf32, #tpu.memory_space<hbm>>
    tpu.wait_indirect_dma semaphore(%arg8 : memref<!tpu.dma_semaphore, #tpu.memory_space<semaphore_mem>>) src(%dma_wait3A_103 : memref<65600x768xf32, #tpu.memory_space<hbm>>) dst(%arg7 : memref<57x768xf32, #tpu.memory_space<vmem>>)
    %mul3A_104 = arith.constant 513 : i32
    %mul3A_105 = arith.muli %add3A_4, %mul3A_104 : i32
    %add3A_106 = arith.constant 171 : i32
    %add3A_107 = arith.addi %mul3A_105, %add3A_106 : i32
    "tpu.region"() ({
      %run_scoped3A = tpu.sem_alloc : memref<!tpu.dma_semaphore, #tpu.memory_space<semaphore_mem>>
      %dma_start3A_403 = arith.constant 0 : i32
      %dma_start3A_404 = tpu.memref_slice %arg4[%add3A_107, %dma_start3A_403] : memref<32832x768xf32, #tpu.memory_space<hbm>> -> memref<57x768xf32, #tpu.memory_space<hbm>>
      %dma_start3A_405 = arith.constant 0 : i32
      %dma_start3A_406 = tpu.memref_slice %arg4[%add3A_107, %dma_start3A_405] : memref<32832x768xf32, #tpu.memory_space<hbm>> -> memref<57x768xf32, #tpu.memory_space<hbm>>
      tpu.enqueue_dma source(%arg7 : memref<57x768xf32, #tpu.memory_space<vmem>>) target(%dma_start3A_406 : memref<57x768xf32, #tpu.memory_space<hbm>>) target_semaphore(%run_scoped3A : memref<!tpu.dma_semaphore, #tpu.memory_space<semaphore_mem>>)
      %dma_wait3A_407 = arith.constant 0 : i32
      %dma_wait3A_408 = tpu.memref_slice %arg4[%add3A_107, %dma_wait3A_407] : memref<32832x768xf32, #tpu.memory_space<hbm>> -> memref<57x768xf32, #tpu.memory_space<hbm>>
      %dma_wait3A_409 = arith.constant 0 : i32
      %dma_wait3A_410 = tpu.memref_slice %arg4[%add3A_107, %dma_wait3A_409] : memref<32832x768xf32, #tpu.memory_space<hbm>> -> memref<57x768xf32, #tpu.memory_space<hbm>>
      tpu.wait_dma2 semaphore(%run_scoped3A : memref<!tpu.dma_semaphore, #tpu.memory_space<semaphore_mem>>) src(%arg7 : memref<57x768xf32, #tpu.memory_space<vmem>>) dst(%dma_wait3A_410 : memref<57x768xf32, #tpu.memory_space<hbm>>)
      tpu.yield
    }) : () -> ()
    %dma_start3A_108 = arith.constant 4 : i32
    %dma_start3A_109 = arith.constant 0 : i32
    %dma_start3A_110 = tpu.memref_slice %arg6[%dma_start3A_108, %dma_start3A_109] : memref<9x57xi32, #tpu.memory_space<vmem>> -> memref<1x57xi32, #tpu.memory_space<vmem>>
    %dma_start3A_111 = tpu.memref_squeeze %dma_start3A_110 : memref<1x57xi32, #tpu.memory_space<vmem>> -> memref<57xi32, #tpu.memory_space<vmem>>
    %dma_start3A_112 = arith.constant 0 : i32
    %dma_start3A_113 = arith.constant 0 : i32
    %dma_start3A_114 = tpu.memref_slice %arg2[%dma_start3A_112, %dma_start3A_113] : memref<65600x768xf32, #tpu.memory_space<hbm>> -> memref<65600x768xf32, #tpu.memory_space<hbm>>
    tpu.enqueue_indirect_dma source(%dma_start3A_114 : memref<65600x768xf32, #tpu.memory_space<hbm>>) target(%arg7 : memref<57x768xf32, #tpu.memory_space<vmem>>) offsets(%dma_start3A_111 : memref<57xi32, #tpu.memory_space<vmem>>) semaphore(%arg8 : memref<!tpu.dma_semaphore, #tpu.memory_space<semaphore_mem>>)
    %dma_wait3A_115 = arith.constant 4 : i32
    %dma_wait3A_116 = arith.constant 0 : i32
    %dma_wait3A_117 = tpu.memref_slice %arg6[%dma_wait3A_115, %dma_wait3A_116] : memref<9x57xi32, #tpu.memory_space<vmem>> -> memref<1x57xi32, #tpu.memory_space<vmem>>
    %dma_wait3A_118 = tpu.memref_squeeze %dma_wait3A_117 : memref<1x57xi32, #tpu.memory_space<vmem>> -> memref<57xi32, #tpu.memory_space<vmem>>
    %dma_wait3A_119 = arith.constant 0 : i32
    %dma_wait3A_120 = arith.constant 0 : i32
    %dma_wait3A_121 = tpu.memref_slice %arg2[%dma_wait3A_119, %dma_wait3A_120] : memref<65600x768xf32, #tpu.memory_space<hbm>> -> memref<65600x768xf32, #tpu.memory_space<hbm>>
    tpu.wait_indirect_dma semaphore(%arg8 : memref<!tpu.dma_semaphore, #tpu.memory_space<semaphore_mem>>) src(%dma_wait3A_121 : memref<65600x768xf32, #tpu.memory_space<hbm>>) dst(%arg7 : memref<57x768xf32, #tpu.memory_space<vmem>>)
    %mul3A_122 = arith.constant 513 : i32
    %mul3A_123 = arith.muli %add3A_4, %mul3A_122 : i32
    %add3A_124 = arith.constant 228 : i32
    %add3A_125 = arith.addi %mul3A_123, %add3A_124 : i32
    "tpu.region"() ({
      %run_scoped3A = tpu.sem_alloc : memref<!tpu.dma_semaphore, #tpu.memory_space<semaphore_mem>>
      %dma_start3A_403 = arith.constant 0 : i32
      %dma_start3A_404 = tpu.memref_slice %arg4[%add3A_125, %dma_start3A_403] : memref<32832x768xf32, #tpu.memory_space<hbm>> -> memref<57x768xf32, #tpu.memory_space<hbm>>
      %dma_start3A_405 = arith.constant 0 : i32
      %dma_start3A_406 = tpu.memref_slice %arg4[%add3A_125, %dma_start3A_405] : memref<32832x768xf32, #tpu.memory_space<hbm>> -> memref<57x768xf32, #tpu.memory_space<hbm>>
      tpu.enqueue_dma source(%arg7 : memref<57x768xf32, #tpu.memory_space<vmem>>) target(%dma_start3A_406 : memref<57x768xf32, #tpu.memory_space<hbm>>) target_semaphore(%run_scoped3A : memref<!tpu.dma_semaphore, #tpu.memory_space<semaphore_mem>>)
      %dma_wait3A_407 = arith.constant 0 : i32
      %dma_wait3A_408 = tpu.memref_slice %arg4[%add3A_125, %dma_wait3A_407] : memref<32832x768xf32, #tpu.memory_space<hbm>> -> memref<57x768xf32, #tpu.memory_space<hbm>>
      %dma_wait3A_409 = arith.constant 0 : i32
      %dma_wait3A_410 = tpu.memref_slice %arg4[%add3A_125, %dma_wait3A_409] : memref<32832x768xf32, #tpu.memory_space<hbm>> -> memref<57x768xf32, #tpu.memory_space<hbm>>
      tpu.wait_dma2 semaphore(%run_scoped3A : memref<!tpu.dma_semaphore, #tpu.memory_space<semaphore_mem>>) src(%arg7 : memref<57x768xf32, #tpu.memory_space<vmem>>) dst(%dma_wait3A_410 : memref<57x768xf32, #tpu.memory_space<hbm>>)
      tpu.yield
    }) : () -> ()
    %dma_start3A_126 = arith.constant 5 : i32
    %dma_start3A_127 = arith.constant 0 : i32
    %dma_start3A_128 = tpu.memref_slice %arg6[%dma_start3A_126, %dma_start3A_127] : memref<9x57xi32, #tpu.memory_space<vmem>> -> memref<1x57xi32, #tpu.memory_space<vmem>>
    %dma_start3A_129 = tpu.memref_squeeze %dma_start3A_128 : memref<1x57xi32, #tpu.memory_space<vmem>> -> memref<57xi32, #tpu.memory_space<vmem>>
    %dma_start3A_130 = arith.constant 0 : i32
    %dma_start3A_131 = arith.constant 0 : i32
    %dma_start3A_132 = tpu.memref_slice %arg2[%dma_start3A_130, %dma_start3A_131] : memref<65600x768xf32, #tpu.memory_space<hbm>> -> memref<65600x768xf32, #tpu.memory_space<hbm>>
    tpu.enqueue_indirect_dma source(%dma_start3A_132 : memref<65600x768xf32, #tpu.memory_space<hbm>>) target(%arg7 : memref<57x768xf32, #tpu.memory_space<vmem>>) offsets(%dma_start3A_129 : memref<57xi32, #tpu.memory_space<vmem>>) semaphore(%arg8 : memref<!tpu.dma_semaphore, #tpu.memory_space<semaphore_mem>>)
    %dma_wait3A_133 = arith.constant 5 : i32
    %dma_wait3A_134 = arith.constant 0 : i32
    %dma_wait3A_135 = tpu.memref_slice %arg6[%dma_wait3A_133, %dma_wait3A_134] : memref<9x57xi32, #tpu.memory_space<vmem>> -> memref<1x57xi32, #tpu.memory_space<vmem>>
    %dma_wait3A_136 = tpu.memref_squeeze %dma_wait3A_135 : memref<1x57xi32, #tpu.memory_space<vmem>> -> memref<57xi32, #tpu.memory_space<vmem>>
    %dma_wait3A_137 = arith.constant 0 : i32
    %dma_wait3A_138 = arith.constant 0 : i32
    %dma_wait3A_139 = tpu.memref_slice %arg2[%dma_wait3A_137, %dma_wait3A_138] : memref<65600x768xf32, #tpu.memory_space<hbm>> -> memref<65600x768xf32, #tpu.memory_space<hbm>>
    tpu.wait_indirect_dma semaphore(%arg8 : memref<!tpu.dma_semaphore, #tpu.memory_space<semaphore_mem>>) src(%dma_wait3A_139 : memref<65600x768xf32, #tpu.memory_space<hbm>>) dst(%arg7 : memref<57x768xf32, #tpu.memory_space<vmem>>)
    %mul3A_140 = arith.constant 513 : i32
    %mul3A_141 = arith.muli %add3A_4, %mul3A_140 : i32
    %add3A_142 = arith.constant 285 : i32
    %add3A_143 = arith.addi %mul3A_141, %add3A_142 : i32
    "tpu.region"() ({
      %run_scoped3A = tpu.sem_alloc : memref<!tpu.dma_semaphore, #tpu.memory_space<semaphore_mem>>
      %dma_start3A_403 = arith.constant 0 : i32
      %dma_start3A_404 = tpu.memref_slice %arg4[%add3A_143, %dma_start3A_403] : memref<32832x768xf32, #tpu.memory_space<hbm>> -> memref<57x768xf32, #tpu.memory_space<hbm>>
      %dma_start3A_405 = arith.constant 0 : i32
      %dma_start3A_406 = tpu.memref_slice %arg4[%add3A_143, %dma_start3A_405] : memref<32832x768xf32, #tpu.memory_space<hbm>> -> memref<57x768xf32, #tpu.memory_space<hbm>>
      tpu.enqueue_dma source(%arg7 : memref<57x768xf32, #tpu.memory_space<vmem>>) target(%dma_start3A_406 : memref<57x768xf32, #tpu.memory_space<hbm>>) target_semaphore(%run_scoped3A : memref<!tpu.dma_semaphore, #tpu.memory_space<semaphore_mem>>)
      %dma_wait3A_407 = arith.constant 0 : i32
      %dma_wait3A_408 = tpu.memref_slice %arg4[%add3A_143, %dma_wait3A_407] : memref<32832x768xf32, #tpu.memory_space<hbm>> -> memref<57x768xf32, #tpu.memory_space<hbm>>
      %dma_wait3A_409 = arith.constant 0 : i32
      %dma_wait3A_410 = tpu.memref_slice %arg4[%add3A_143, %dma_wait3A_409] : memref<32832x768xf32, #tpu.memory_space<hbm>> -> memref<57x768xf32, #tpu.memory_space<hbm>>
      tpu.wait_dma2 semaphore(%run_scoped3A : memref<!tpu.dma_semaphore, #tpu.memory_space<semaphore_mem>>) src(%arg7 : memref<57x768xf32, #tpu.memory_space<vmem>>) dst(%dma_wait3A_410 : memref<57x768xf32, #tpu.memory_space<hbm>>)
      tpu.yield
    }) : () -> ()
    %dma_start3A_144 = arith.constant 6 : i32
    %dma_start3A_145 = arith.constant 0 : i32
    %dma_start3A_146 = tpu.memref_slice %arg6[%dma_start3A_144, %dma_start3A_145] : memref<9x57xi32, #tpu.memory_space<vmem>> -> memref<1x57xi32, #tpu.memory_space<vmem>>
    %dma_start3A_147 = tpu.memref_squeeze %dma_start3A_146 : memref<1x57xi32, #tpu.memory_space<vmem>> -> memref<57xi32, #tpu.memory_space<vmem>>
    %dma_start3A_148 = arith.constant 0 : i32
    %dma_start3A_149 = arith.constant 0 : i32
    %dma_start3A_150 = tpu.memref_slice %arg2[%dma_start3A_148, %dma_start3A_149] : memref<65600x768xf32, #tpu.memory_space<hbm>> -> memref<65600x768xf32, #tpu.memory_space<hbm>>
    tpu.enqueue_indirect_dma source(%dma_start3A_150 : memref<65600x768xf32, #tpu.memory_space<hbm>>) target(%arg7 : memref<57x768xf32, #tpu.memory_space<vmem>>) offsets(%dma_start3A_147 : memref<57xi32, #tpu.memory_space<vmem>>) semaphore(%arg8 : memref<!tpu.dma_semaphore, #tpu.memory_space<semaphore_mem>>)
    %dma_wait3A_151 = arith.constant 6 : i32
    %dma_wait3A_152 = arith.constant 0 : i32
    %dma_wait3A_153 = tpu.memref_slice %arg6[%dma_wait3A_151, %dma_wait3A_152] : memref<9x57xi32, #tpu.memory_space<vmem>> -> memref<1x57xi32, #tpu.memory_space<vmem>>
    %dma_wait3A_154 = tpu.memref_squeeze %dma_wait3A_153 : memref<1x57xi32, #tpu.memory_space<vmem>> -> memref<57xi32, #tpu.memory_space<vmem>>
    %dma_wait3A_155 = arith.constant 0 : i32
    %dma_wait3A_156 = arith.constant 0 : i32
    %dma_wait3A_157 = tpu.memref_slice %arg2[%dma_wait3A_155, %dma_wait3A_156] : memref<65600x768xf32, #tpu.memory_space<hbm>> -> memref<65600x768xf32, #tpu.memory_space<hbm>>
    tpu.wait_indirect_dma semaphore(%arg8 : memref<!tpu.dma_semaphore, #tpu.memory_space<semaphore_mem>>) src(%dma_wait3A_157 : memref<65600x768xf32, #tpu.memory_space<hbm>>) dst(%arg7 : memref<57x768xf32, #tpu.memory_space<vmem>>)
    %mul3A_158 = arith.constant 513 : i32
    %mul3A_159 = arith.muli %add3A_4, %mul3A_158 : i32
    %add3A_160 = arith.constant 342 : i32
    %add3A_161 = arith.addi %mul3A_159, %add3A_160 : i32
    "tpu.region"() ({
      %run_scoped3A = tpu.sem_alloc : memref<!tpu.dma_semaphore, #tpu.memory_space<semaphore_mem>>
      %dma_start3A_403 = arith.constant 0 : i32
      %dma_start3A_404 = tpu.memref_slice %arg4[%add3A_161, %dma_start3A_403] : memref<32832x768xf32, #tpu.memory_space<hbm>> -> memref<57x768xf32, #tpu.memory_space<hbm>>
      %dma_start3A_405 = arith.constant 0 : i32
      %dma_start3A_406 = tpu.memref_slice %arg4[%add3A_161, %dma_start3A_405] : memref<32832x768xf32, #tpu.memory_space<hbm>> -> memref<57x768xf32, #tpu.memory_space<hbm>>
      tpu.enqueue_dma source(%arg7 : memref<57x768xf32, #tpu.memory_space<vmem>>) target(%dma_start3A_406 : memref<57x768xf32, #tpu.memory_space<hbm>>) target_semaphore(%run_scoped3A : memref<!tpu.dma_semaphore, #tpu.memory_space<semaphore_mem>>)
      %dma_wait3A_407 = arith.constant 0 : i32
      %dma_wait3A_408 = tpu.memref_slice %arg4[%add3A_161, %dma_wait3A_407] : memref<32832x768xf32, #tpu.memory_space<hbm>> -> memref<57x768xf32, #tpu.memory_space<hbm>>
      %dma_wait3A_409 = arith.constant 0 : i32
      %dma_wait3A_410 = tpu.memref_slice %arg4[%add3A_161, %dma_wait3A_409] : memref<32832x768xf32, #tpu.memory_space<hbm>> -> memref<57x768xf32, #tpu.memory_space<hbm>>
      tpu.wait_dma2 semaphore(%run_scoped3A : memref<!tpu.dma_semaphore, #tpu.memory_space<semaphore_mem>>) src(%arg7 : memref<57x768xf32, #tpu.memory_space<vmem>>) dst(%dma_wait3A_410 : memref<57x768xf32, #tpu.memory_space<hbm>>)
      tpu.yield
    }) : () -> ()
    %dma_start3A_162 = arith.constant 7 : i32
    %dma_start3A_163 = arith.constant 0 : i32
    %dma_start3A_164 = tpu.memref_slice %arg6[%dma_start3A_162, %dma_start3A_163] : memref<9x57xi32, #tpu.memory_space<vmem>> -> memref<1x57xi32, #tpu.memory_space<vmem>>
    %dma_start3A_165 = tpu.memref_squeeze %dma_start3A_164 : memref<1x57xi32, #tpu.memory_space<vmem>> -> memref<57xi32, #tpu.memory_space<vmem>>
    %dma_start3A_166 = arith.constant 0 : i32
    %dma_start3A_167 = arith.constant 0 : i32
    %dma_start3A_168 = tpu.memref_slice %arg2[%dma_start3A_166, %dma_start3A_167] : memref<65600x768xf32, #tpu.memory_space<hbm>> -> memref<65600x768xf32, #tpu.memory_space<hbm>>
    tpu.enqueue_indirect_dma source(%dma_start3A_168 : memref<65600x768xf32, #tpu.memory_space<hbm>>) target(%arg7 : memref<57x768xf32, #tpu.memory_space<vmem>>) offsets(%dma_start3A_165 : memref<57xi32, #tpu.memory_space<vmem>>) semaphore(%arg8 : memref<!tpu.dma_semaphore, #tpu.memory_space<semaphore_mem>>)
    %dma_wait3A_169 = arith.constant 7 : i32
    %dma_wait3A_170 = arith.constant 0 : i32
    %dma_wait3A_171 = tpu.memref_slice %arg6[%dma_wait3A_169, %dma_wait3A_170] : memref<9x57xi32, #tpu.memory_space<vmem>> -> memref<1x57xi32, #tpu.memory_space<vmem>>
    %dma_wait3A_172 = tpu.memref_squeeze %dma_wait3A_171 : memref<1x57xi32, #tpu.memory_space<vmem>> -> memref<57xi32, #tpu.memory_space<vmem>>
    %dma_wait3A_173 = arith.constant 0 : i32
    %dma_wait3A_174 = arith.constant 0 : i32
    %dma_wait3A_175 = tpu.memref_slice %arg2[%dma_wait3A_173, %dma_wait3A_174] : memref<65600x768xf32, #tpu.memory_space<hbm>> -> memref<65600x768xf32, #tpu.memory_space<hbm>>
    tpu.wait_indirect_dma semaphore(%arg8 : memref<!tpu.dma_semaphore, #tpu.memory_space<semaphore_mem>>) src(%dma_wait3A_175 : memref<65600x768xf32, #tpu.memory_space<hbm>>) dst(%arg7 : memref<57x768xf32, #tpu.memory_space<vmem>>)
    %mul3A_176 = arith.constant 513 : i32
    %mul3A_177 = arith.muli %add3A_4, %mul3A_176 : i32
    %add3A_178 = arith.constant 399 : i32
    %add3A_179 = arith.addi %mul3A_177, %add3A_178 : i32
    "tpu.region"() ({
      %run_scoped3A = tpu.sem_alloc : memref<!tpu.dma_semaphore, #tpu.memory_space<semaphore_mem>>
      %dma_start3A_403 = arith.constant 0 : i32
      %dma_start3A_404 = tpu.memref_slice %arg4[%add3A_179, %dma_start3A_403] : memref<32832x768xf32, #tpu.memory_space<hbm>> -> memref<57x768xf32, #tpu.memory_space<hbm>>
      %dma_start3A_405 = arith.constant 0 : i32
      %dma_start3A_406 = tpu.memref_slice %arg4[%add3A_179, %dma_start3A_405] : memref<32832x768xf32, #tpu.memory_space<hbm>> -> memref<57x768xf32, #tpu.memory_space<hbm>>
      tpu.enqueue_dma source(%arg7 : memref<57x768xf32, #tpu.memory_space<vmem>>) target(%dma_start3A_406 : memref<57x768xf32, #tpu.memory_space<hbm>>) target_semaphore(%run_scoped3A : memref<!tpu.dma_semaphore, #tpu.memory_space<semaphore_mem>>)
      %dma_wait3A_407 = arith.constant 0 : i32
      %dma_wait3A_408 = tpu.memref_slice %arg4[%add3A_179, %dma_wait3A_407] : memref<32832x768xf32, #tpu.memory_space<hbm>> -> memref<57x768xf32, #tpu.memory_space<hbm>>
      %dma_wait3A_409 = arith.constant 0 : i32
      %dma_wait3A_410 = tpu.memref_slice %arg4[%add3A_179, %dma_wait3A_409] : memref<32832x768xf32, #tpu.memory_space<hbm>> -> memref<57x768xf32, #tpu.memory_space<hbm>>
      tpu.wait_dma2 semaphore(%run_scoped3A : memref<!tpu.dma_semaphore, #tpu.memory_space<semaphore_mem>>) src(%arg7 : memref<57x768xf32, #tpu.memory_space<vmem>>) dst(%dma_wait3A_410 : memref<57x768xf32, #tpu.memory_space<hbm>>)
      tpu.yield
    }) : () -> ()
    %dma_start3A_180 = arith.constant 8 : i32
    %dma_start3A_181 = arith.constant 0 : i32
    %dma_start3A_182 = tpu.memref_slice %arg6[%dma_start3A_180, %dma_start3A_181] : memref<9x57xi32, #tpu.memory_space<vmem>> -> memref<1x57xi32, #tpu.memory_space<vmem>>
    %dma_start3A_183 = tpu.memref_squeeze %dma_start3A_182 : memref<1x57xi32, #tpu.memory_space<vmem>> -> memref<57xi32, #tpu.memory_space<vmem>>
    %dma_start3A_184 = arith.constant 0 : i32
    %dma_start3A_185 = arith.constant 0 : i32
    %dma_start3A_186 = tpu.memref_slice %arg2[%dma_start3A_184, %dma_start3A_185] : memref<65600x768xf32, #tpu.memory_space<hbm>> -> memref<65600x768xf32, #tpu.memory_space<hbm>>
    tpu.enqueue_indirect_dma source(%dma_start3A_186 : memref<65600x768xf32, #tpu.memory_space<hbm>>) target(%arg7 : memref<57x768xf32, #tpu.memory_space<vmem>>) offsets(%dma_start3A_183 : memref<57xi32, #tpu.memory_space<vmem>>) semaphore(%arg8 : memref<!tpu.dma_semaphore, #tpu.memory_space<semaphore_mem>>)
    %dma_wait3A_187 = arith.constant 8 : i32
    %dma_wait3A_188 = arith.constant 0 : i32
    %dma_wait3A_189 = tpu.memref_slice %arg6[%dma_wait3A_187, %dma_wait3A_188] : memref<9x57xi32, #tpu.memory_space<vmem>> -> memref<1x57xi32, #tpu.memory_space<vmem>>
    %dma_wait3A_190 = tpu.memref_squeeze %dma_wait3A_189 : memref<1x57xi32, #tpu.memory_space<vmem>> -> memref<57xi32, #tpu.memory_space<vmem>>
    %dma_wait3A_191 = arith.constant 0 : i32
    %dma_wait3A_192 = arith.constant 0 : i32
    %dma_wait3A_193 = tpu.memref_slice %arg2[%dma_wait3A_191, %dma_wait3A_192] : memref<65600x768xf32, #tpu.memory_space<hbm>> -> memref<65600x768xf32, #tpu.memory_space<hbm>>
    tpu.wait_indirect_dma semaphore(%arg8 : memref<!tpu.dma_semaphore, #tpu.memory_space<semaphore_mem>>) src(%dma_wait3A_193 : memref<65600x768xf32, #tpu.memory_space<hbm>>) dst(%arg7 : memref<57x768xf32, #tpu.memory_space<vmem>>)
    %mul3A_194 = arith.constant 513 : i32
    %mul3A_195 = arith.muli %add3A_4, %mul3A_194 : i32
    %add3A_196 = arith.constant 456 : i32
    %add3A_197 = arith.addi %mul3A_195, %add3A_196 : i32
    "tpu.region"() ({
      %run_scoped3A = tpu.sem_alloc : memref<!tpu.dma_semaphore, #tpu.memory_space<semaphore_mem>>
      %dma_start3A_403 = arith.constant 0 : i32
      %dma_start3A_404 = tpu.memref_slice %arg4[%add3A_197, %dma_start3A_403] : memref<32832x768xf32, #tpu.memory_space<hbm>> -> memref<57x768xf32, #tpu.memory_space<hbm>>
      %dma_start3A_405 = arith.constant 0 : i32
      %dma_start3A_406 = tpu.memref_slice %arg4[%add3A_197, %dma_start3A_405] : memref<32832x768xf32, #tpu.memory_space<hbm>> -> memref<57x768xf32, #tpu.memory_space<hbm>>
      tpu.enqueue_dma source(%arg7 : memref<57x768xf32, #tpu.memory_space<vmem>>) target(%dma_start3A_406 : memref<57x768xf32, #tpu.memory_space<hbm>>) target_semaphore(%run_scoped3A : memref<!tpu.dma_semaphore, #tpu.memory_space<semaphore_mem>>)
      %dma_wait3A_407 = arith.constant 0 : i32
      %dma_wait3A_408 = tpu.memref_slice %arg4[%add3A_197, %dma_wait3A_407] : memref<32832x768xf32, #tpu.memory_space<hbm>> -> memref<57x768xf32, #tpu.memory_space<hbm>>
      %dma_wait3A_409 = arith.constant 0 : i32
      %dma_wait3A_410 = tpu.memref_slice %arg4[%add3A_197, %dma_wait3A_409] : memref<32832x768xf32, #tpu.memory_space<hbm>> -> memref<57x768xf32, #tpu.memory_space<hbm>>
      tpu.wait_dma2 semaphore(%run_scoped3A : memref<!tpu.dma_semaphore, #tpu.memory_space<semaphore_mem>>) src(%arg7 : memref<57x768xf32, #tpu.memory_space<vmem>>) dst(%dma_wait3A_410 : memref<57x768xf32, #tpu.memory_space<hbm>>)
      tpu.yield
    }) : () -> ()
    %mul3A_198 = arith.constant 2 : i32
    %mul3A_199 = arith.muli %add3A, %mul3A_198 : i32
    %add3A_200 = arith.constant 1 : i32
    %add3A_201 = arith.addi %mul3A_199, %add3A_200 : i32
    "tpu.region"() ({
      %run_scoped3A = tpu.sem_alloc : memref<!tpu.dma_semaphore, #tpu.memory_space<semaphore_mem>>
      %dma_start3A_403 = arith.constant 0 : i32
      %dma_start3A_404 = tpu.memref_slice %arg3[%add3A_201, %dma_start3A_403] : memref<64x1024xf32, #tpu.memory_space<hbm>> -> memref<1x1024xf32, #tpu.memory_space<hbm>>
      %dma_start3A_405 = tpu.memref_squeeze %dma_start3A_404 : memref<1x1024xf32, #tpu.memory_space<hbm>> -> memref<1024xf32, #tpu.memory_space<hbm>>
      %dma_start3A_406 = arith.constant 0 : i32
      %dma_start3A_407 = tpu.memref_slice %arg3[%add3A_201, %dma_start3A_406] : memref<64x1024xf32, #tpu.memory_space<hbm>> -> memref<1x1024xf32, #tpu.memory_space<hbm>>
      %dma_start3A_408 = tpu.memref_squeeze %dma_start3A_407 : memref<1x1024xf32, #tpu.memory_space<hbm>> -> memref<1024xf32, #tpu.memory_space<hbm>>
      tpu.enqueue_dma source(%dma_start3A_408 : memref<1024xf32, #tpu.memory_space<hbm>>) target(%arg5 : memref<1024xf32, #tpu.memory_space<vmem>>) target_semaphore(%run_scoped3A : memref<!tpu.dma_semaphore, #tpu.memory_space<semaphore_mem>>)
      %dma_wait3A_409 = arith.constant 0 : i32
      %dma_wait3A_410 = tpu.memref_slice %arg3[%add3A_201, %dma_wait3A_409] : memref<64x1024xf32, #tpu.memory_space<hbm>> -> memref<1x1024xf32, #tpu.memory_space<hbm>>
      %dma_wait3A_411 = tpu.memref_squeeze %dma_wait3A_410 : memref<1x1024xf32, #tpu.memory_space<hbm>> -> memref<1024xf32, #tpu.memory_space<hbm>>
      %dma_wait3A_412 = arith.constant 0 : i32
      %dma_wait3A_413 = tpu.memref_slice %arg3[%add3A_201, %dma_wait3A_412] : memref<64x1024xf32, #tpu.memory_space<hbm>> -> memref<1x1024xf32, #tpu.memory_space<hbm>>
      %dma_wait3A_414 = tpu.memref_squeeze %dma_wait3A_413 : memref<1x1024xf32, #tpu.memory_space<hbm>> -> memref<1024xf32, #tpu.memory_space<hbm>>
      tpu.wait_dma2 semaphore(%run_scoped3A : memref<!tpu.dma_semaphore, #tpu.memory_space<semaphore_mem>>) src(%dma_wait3A_414 : memref<1024xf32, #tpu.memory_space<hbm>>) dst(%arg5 : memref<1024xf32, #tpu.memory_space<vmem>>)
      tpu.yield
    }) : () -> ()
    %scan3A_202 = arith.constant 0 : i32
    %scan3A_203 = arith.constant 1073741824 : i32
    %scan3A_204 = arith.constant 0 : i32
    %scan3A_205 = arith.constant 30 : i32
    %scan3A_206 = arith.addi %scan3A_204, %scan3A_205 : i32
    %scan3A_207 = arith.constant 1 : i32
    %scan3A_208:2 = scf.for %scan3A_403 = %scan3A_204 to %scan3A_206 step %scan3A_207 iter_args(%scan3A_404 = %scan3A_202, %scan3A_405 = %scan3A_203) -> (i32, i32)  : i32 {
      %add3A_406 = arith.addi %scan3A_404, %scan3A_405 : i32
      %shift_right_arithmetic3A = arith.constant 1 : i32
      %shift_right_arithmetic3A_407 = arith.shrsi %add3A_406, %shift_right_arithmetic3A : i32
      %broadcast_in_dim3A_408 = vector.broadcast %shift_right_arithmetic3A_407 : i32 to vector<16xi32>
      %bitcast3A_409 = vector.bitcast %broadcast_in_dim3A_408 : vector<16xi32> to vector<16xf32>
      %broadcast_in_dim3A_410 = arith.constant 0 : i32
      %broadcast_in_dim3A_411 = vector.broadcast %broadcast_in_dim3A_410 : i32 to vector<16xi32>
      %scan3A_412 = arith.constant 0 : i32
      %scan3A_413 = arith.constant 64 : i32
      %scan3A_414 = arith.addi %scan3A_412, %scan3A_413 : i32
      %scan3A_415 = arith.constant 1 : i32
      %scan3A_416 = scf.for %scan3A_424 = %scan3A_412 to %scan3A_414 step %scan3A_415 iter_args(%scan3A_425 = %broadcast_in_dim3A_411) -> (vector<16xi32>)  : i32 {
        %mul3A_426 = arith.constant 16 : i32
        %mul3A_427 = arith.muli %scan3A_424, %mul3A_426 : i32
        %get3A = arith.index_cast %mul3A_427 : i32 to index
        %get3A_428 = tpu.vector_load %arg5[%get3A] {strides = array<i32>} : memref<1024xf32, #tpu.memory_space<vmem>>, vector<16xf32>,
        %lt3A = arith.cmpf olt, %get3A_428, %bitcast3A_409 : vector<16xf32>
        %convert_element_type3A = arith.extui %lt3A : vector<16xi1> to vector<16xi32>
        %add3A_429 = arith.addi %scan3A_425, %convert_element_type3A : vector<16xi32>
        scf.yield %add3A_429 : vector<16xi32>
      }
      %scan3A_417 = arith.constant 64 : i32
      %reduce_sum3A_418 = arith.constant true
      %reduce_sum3A_419 = vector.broadcast %reduce_sum3A_418 : i1 to vector<16xi1>
      %reduce_sum3A_420 = tpu.scan <sum>, %scan3A_416 masked %reduce_sum3A_419 : vector<16xi32>, vector<16xi1> -> vector<16xi32>
      %reduce_sum3A_421 = vector.extract %reduce_sum3A_420[15] : i32 from vector<16xi32>
      %ge3A = arith.constant 512 : i32
      %ge3A_422 = arith.cmpi sge, %reduce_sum3A_421, %ge3A : i32
      %select_n3A = arith.select %ge3A_422, %scan3A_404, %shift_right_arithmetic3A_407 : i32
      %select_n3A_423 = arith.select %ge3A_422, %shift_right_arithmetic3A_407, %scan3A_405 : i32
      scf.yield %select_n3A, %select_n3A_423 : i32, i32
    }
    %scan3A_209 = arith.constant 30 : i32
    %broadcast_in_dim3A_210 = vector.broadcast %scan3A_208#0 : i32 to vector<16xi32>
    %bitcast3A_211 = vector.bitcast %broadcast_in_dim3A_210 : vector<16xi32> to vector<16xf32>
    %broadcast_in_dim3A_212 = arith.constant 0 : i32
    %broadcast_in_dim3A_213 = vector.broadcast %broadcast_in_dim3A_212 : i32 to vector<16xi32>
    %scan3A_214 = arith.constant 0 : i32
    %scan3A_215 = arith.constant 64 : i32
    %scan3A_216 = arith.addi %scan3A_214, %scan3A_215 : i32
    %scan3A_217 = arith.constant 1 : i32
    %scan3A_218 = scf.for %scan3A_403 = %scan3A_214 to %scan3A_216 step %scan3A_217 iter_args(%scan3A_404 = %broadcast_in_dim3A_213) -> (vector<16xi32>)  : i32 {
      %mul3A_405 = arith.constant 16 : i32
      %mul3A_406 = arith.muli %scan3A_403, %mul3A_405 : i32
      %get3A = arith.index_cast %mul3A_406 : i32 to index
      %get3A_407 = tpu.vector_load %arg5[%get3A] {strides = array<i32>} : memref<1024xf32, #tpu.memory_space<vmem>>, vector<16xf32>,
      %lt3A = arith.cmpf olt, %get3A_407, %bitcast3A_211 : vector<16xf32>
      %convert_element_type3A = arith.extui %lt3A : vector<16xi1> to vector<16xi32>
      %add3A_408 = arith.addi %scan3A_404, %convert_element_type3A : vector<16xi32>
      scf.yield %add3A_408 : vector<16xi32>
    }
    %scan3A_219 = arith.constant 64 : i32
    %reduce_sum3A_220 = arith.constant true
    %reduce_sum3A_221 = vector.broadcast %reduce_sum3A_220 : i1 to vector<16xi1>
    %reduce_sum3A_222 = tpu.scan <sum>, %scan3A_218 masked %reduce_sum3A_221 : vector<16xi32>, vector<16xi1> -> vector<16xi32>
    %reduce_sum3A_223 = vector.extract %reduce_sum3A_222[15] : i32 from vector<16xi32>
    %sub3A_224 = arith.constant 512 : i32
    %sub3A_225 = arith.subi %sub3A_224, %reduce_sum3A_223 : i32
    %mul3A_226 = arith.constant 1025 : i32
    %mul3A_227 = arith.muli %add3A_201, %mul3A_226 : i32
    %broadcast_in_dim3A_228 = vector.broadcast %mul3A_227 : i32 to vector<16xi32>
    %swap3A_229 = arith.constant 0 : i32
    %swap3A_230 = arith.index_cast %swap3A_229 : i32 to index
    %swap3A_231 = arith.constant 0 : index
    %swap3A_232 = tpu.vector_load %arg6[%swap3A_230, %swap3A_231] {strides = array<i32>} : memref<9x57xi32, #tpu.memory_space<vmem>>, vector<16xi32>,
    tpu.vector_store %arg6[%swap3A_230, %swap3A_231], %broadcast_in_dim3A_228 {strides = array<i32>} : memref<9x57xi32, #tpu.memory_space<vmem>>, vector<16xi32>,
    %scan3A_233 = arith.constant 0 : i32
    %scan3A_234 = arith.constant 0 : i32
    %scan3A_235 = arith.constant 0 : i32
    %scan3A_236 = arith.constant 64 : i32
    %scan3A_237 = arith.addi %scan3A_235, %scan3A_236 : i32
    %scan3A_238 = arith.constant 1 : i32
    %scan3A_239:2 = scf.for %scan3A_403 = %scan3A_235 to %scan3A_237 step %scan3A_238 iter_args(%scan3A_404 = %scan3A_233, %scan3A_405 = %scan3A_234) -> (i32, i32)  : i32 {
      %mul3A_406 = arith.constant 16 : i32
      %mul3A_407 = arith.muli %scan3A_403, %mul3A_406 : i32
      %get3A = arith.index_cast %mul3A_407 : i32 to index
      %get3A_408 = tpu.vector_load %arg5[%get3A] {strides = array<i32>} : memref<1024xf32, #tpu.memory_space<vmem>>, vector<16xf32>,
      %lt3A = arith.cmpf olt, %get3A_408, %bitcast3A_211 : vector<16xf32>
      %eq3A = arith.cmpf oeq, %get3A_408, %bitcast3A_211 : vector<16xf32>
      %convert_element_type3A = arith.extui %eq3A : vector<16xi1> to vector<16xi32>
      %broadcast_in_dim3A_409 = arith.constant true
      %broadcast_in_dim3A_410 = vector.broadcast %broadcast_in_dim3A_409 : i1 to vector<16xi1>
      %masked_cumsum3A = tpu.scan <sum>, %convert_element_type3A masked %broadcast_in_dim3A_410 : vector<16xi32>, vector<16xi1> -> vector<16xi32>
      %add3A_411 = vector.broadcast %scan3A_404 : i32 to vector<16xi32>
      %add3A_412 = arith.addi %add3A_411, %masked_cumsum3A : vector<16xi32>
      %sub3A_413 = arith.subi %add3A_412, %convert_element_type3A : vector<16xi32>
      %lt3A_414 = vector.broadcast %sub3A_225 : i32 to vector<16xi32>
      %lt3A_415 = arith.cmpi slt, %sub3A_413, %lt3A_414 : vector<16xi32>
      %and3A = arith.andi %eq3A, %lt3A_415 : vector<16xi1>
      %or3A = arith.ori %lt3A, %and3A : vector<16xi1>
      %convert_element_type3A_416 = arith.extui %or3A : vector<16xi1> to vector<16xi32>
      %broadcast_in_dim3A_417 = arith.constant true
      %broadcast_in_dim3A_418 = vector.broadcast %broadcast_in_dim3A_417 : i1 to vector<16xi1>
      %masked_cumsum3A_419 = tpu.scan <sum>, %convert_element_type3A_416 masked %broadcast_in_dim3A_418 : vector<16xi32>, vector<16xi1> -> vector<16xi32>
      %add3A_420 = vector.broadcast %scan3A_405 : i32 to vector<16xi32>
      %add3A_421 = arith.addi %add3A_420, %masked_cumsum3A_419 : vector<16xi32>
      %sub3A_422 = arith.subi %add3A_421, %convert_element_type3A_416 : vector<16xi32>
      %add3A_423 = arith.constant 1 : i32
      %add3A_424 = vector.broadcast %add3A_423 : i32 to vector<16xi32>
      %add3A_425 = arith.addi %sub3A_422, %add3A_424 : vector<16xi32>
      %mul3A_426 = arith.constant 16 : i32
      %mul3A_427 = arith.muli %scan3A_403, %mul3A_426 : i32
      %add3A_428 = arith.addi %mul3A_227, %mul3A_427 : i32
      %add3A_429 = vector.broadcast %add3A_428 : i32 to vector<16xi32>
      %add3A_430 = arith.addi %add3A_429, %iota3A : vector<16xi32>
      %jit3A = arith.constant 57 : i32
      %div3A = vector.broadcast %jit3A : i32 to vector<16xi32>
      %div3A_431 = arith.divsi %add3A_425, %div3A : vector<16xi32>
      %sign3A = arith.constant 0 : i32
      %sign3A_432 = vector.broadcast %sign3A : i32 to vector<16xi32>
      %sign3A_433 = arith.cmpi sgt, %add3A_425, %sign3A_432 : vector<16xi32>
      %sign3A_434 = arith.extui %sign3A_433 : vector<16xi1> to vector<16xi32>
      %sign3A_435 = arith.constant 0 : i32
      %sign3A_436 = vector.broadcast %sign3A_435 : i32 to vector<16xi32>
      %sign3A_437 = arith.cmpi slt, %add3A_425, %sign3A_436 : vector<16xi32>
      %sign3A_438 = arith.extui %sign3A_437 : vector<16xi1> to vector<16xi32>
      %sign3A_439 = arith.subi %sign3A_434, %sign3A_438 : vector<16xi32>
      %sign3A_440 = arith.constant 0 : i32
      %sign3A_441 = arith.cmpi sgt, %jit3A, %sign3A_440 : i32
      %sign3A_442 = arith.extui %sign3A_441 : i1 to i32
      %sign3A_443 = arith.constant 0 : i32
      %sign3A_444 = arith.cmpi slt, %jit3A, %sign3A_443 : i32
      %sign3A_445 = arith.extui %sign3A_444 : i1 to i32
      %sign3A_446 = arith.subi %sign3A_442, %sign3A_445 : i32
      %ne3A = vector.broadcast %sign3A_446 : i32 to vector<16xi32>
      %ne3A_447 = arith.cmpi ne, %sign3A_439, %ne3A : vector<16xi32>
      %rem3A = vector.broadcast %jit3A : i32 to vector<16xi32>
      %rem3A_448 = arith.remsi %add3A_425, %rem3A : vector<16xi32>
      %ne3A_449 = arith.constant 0 : i32
      %ne3A_450 = vector.broadcast %ne3A_449 : i32 to vector<16xi32>
      %ne3A_451 = arith.cmpi ne, %rem3A_448, %ne3A_450 : vector<16xi32>
      %and3A_452 = arith.andi %ne3A_447, %ne3A_451 : vector<16xi1>
      %sub3A_453 = arith.constant 1 : i32
      %sub3A_454 = vector.broadcast %sub3A_453 : i32 to vector<16xi32>
      %sub3A_455 = arith.subi %div3A_431, %sub3A_454 : vector<16xi32>
      %select_n3A = arith.select %and3A_452, %sub3A_455, %div3A_431 : vector<16xi1>, vector<16xi32>
      %jit3A_456 = arith.constant 57 : i32
      %eq3A_457 = arith.constant 0 : i32
      %eq3A_458 = arith.cmpi eq, %jit3A_456, %eq3A_457 : i32
      %jit3A_459 = arith.constant 1 : i32
      %select_n3A_460 = arith.select %eq3A_458, %jit3A_459, %jit3A_456 : i32
      %rem3A_461 = vector.broadcast %select_n3A_460 : i32 to vector<16xi32>
      %rem3A_462 = arith.remsi %add3A_425, %rem3A_461 : vector<16xi32>
      %ne3A_463 = arith.constant 0 : i32
      %ne3A_464 = vector.broadcast %ne3A_463 : i32 to vector<16xi32>
      %ne3A_465 = arith.cmpi ne, %rem3A_462, %ne3A_464 : vector<16xi32>
      %lt3A_466 = arith.constant 0 : i32
      %lt3A_467 = vector.broadcast %lt3A_466 : i32 to vector<16xi32>
      %lt3A_468 = arith.cmpi slt, %rem3A_462, %lt3A_467 : vector<16xi32>
      %lt3A_469 = arith.constant 0 : i32
      %lt3A_470 = arith.cmpi slt, %select_n3A_460, %lt3A_469 : i32
      %ne3A_471 = vector.broadcast %lt3A_470 : i1 to vector<16xi1>
      %ne3A_472 = vector.broadcast %ne3A_471 : vector<16xi1> to vector<16xi1>
      %ne3A_473 = arith.xori %lt3A_468, %ne3A_472 : vector<16xi1>
      %and3A_474 = arith.andi %ne3A_473, %ne3A_465 : vector<16xi1>
      %add3A_475 = vector.broadcast %select_n3A_460 : i32 to vector<16xi32>
      %add3A_476 = arith.addi %rem3A_462, %add3A_475 : vector<16xi32>
      %select_n3A_477 = arith.select %and3A_474, %add3A_476, %rem3A_462 : vector<16xi1>, vector<16xi32>
      tpu.vector_store_idx %arg6[%select_n3A, %select_n3A_477], %add3A_430 masked %or3A : memref<9x57xi32, #tpu.memory_space<vmem>>[vector<16xi32>, vector<16xi32>], vector<16xi32>, vector<16xi1>
      %slice3A = vector.extract_strided_slice %masked_cumsum3A {offsets = [15], sizes = [1], strides = [1]} : vector<16xi32> to vector<1xi32>
      %squeeze3A = vector.extract %slice3A[0] : i32 from vector<1xi32>
      %add3A_478 = arith.addi %scan3A_404, %squeeze3A : i32
      %slice3A_479 = vector.extract_strided_slice %masked_cumsum3A_419 {offsets = [15], sizes = [1], strides = [1]} : vector<16xi32> to vector<1xi32>
      %squeeze3A_480 = vector.extract %slice3A_479[0] : i32 from vector<1xi32>
      %add3A_481 = arith.addi %scan3A_405, %squeeze3A_480 : i32
      scf.yield %add3A_478, %add3A_481 : i32, i32
    }
    %scan3A_240 = arith.constant 64 : i32
    %dma_start3A_241 = arith.constant 0 : i32
    %dma_start3A_242 = arith.constant 0 : i32
    %dma_start3A_243 = tpu.memref_slice %arg6[%dma_start3A_241, %dma_start3A_242] : memref<9x57xi32, #tpu.memory_space<vmem>> -> memref<1x57xi32, #tpu.memory_space<vmem>>
    %dma_start3A_244 = tpu.memref_squeeze %dma_start3A_243 : memref<1x57xi32, #tpu.memory_space<vmem>> -> memref<57xi32, #tpu.memory_space<vmem>>
    %dma_start3A_245 = arith.constant 0 : i32
    %dma_start3A_246 = arith.constant 0 : i32
    %dma_start3A_247 = tpu.memref_slice %arg2[%dma_start3A_245, %dma_start3A_246] : memref<65600x768xf32, #tpu.memory_space<hbm>> -> memref<65600x768xf32, #tpu.memory_space<hbm>>
    tpu.enqueue_indirect_dma source(%dma_start3A_247 : memref<65600x768xf32, #tpu.memory_space<hbm>>) target(%arg7 : memref<57x768xf32, #tpu.memory_space<vmem>>) offsets(%dma_start3A_244 : memref<57xi32, #tpu.memory_space<vmem>>) semaphore(%arg8 : memref<!tpu.dma_semaphore, #tpu.memory_space<semaphore_mem>>)
    %dma_wait3A_248 = arith.constant 0 : i32
    %dma_wait3A_249 = arith.constant 0 : i32
    %dma_wait3A_250 = tpu.memref_slice %arg6[%dma_wait3A_248, %dma_wait3A_249] : memref<9x57xi32, #tpu.memory_space<vmem>> -> memref<1x57xi32, #tpu.memory_space<vmem>>
    %dma_wait3A_251 = tpu.memref_squeeze %dma_wait3A_250 : memref<1x57xi32, #tpu.memory_space<vmem>> -> memref<57xi32, #tpu.memory_space<vmem>>
    %dma_wait3A_252 = arith.constant 0 : i32
    %dma_wait3A_253 = arith.constant 0 : i32
    %dma_wait3A_254 = tpu.memref_slice %arg2[%dma_wait3A_252, %dma_wait3A_253] : memref<65600x768xf32, #tpu.memory_space<hbm>> -> memref<65600x768xf32, #tpu.memory_space<hbm>>
    tpu.wait_indirect_dma semaphore(%arg8 : memref<!tpu.dma_semaphore, #tpu.memory_space<semaphore_mem>>) src(%dma_wait3A_254 : memref<65600x768xf32, #tpu.memory_space<hbm>>) dst(%arg7 : memref<57x768xf32, #tpu.memory_space<vmem>>)
    %mul3A_255 = arith.constant 513 : i32
    %mul3A_256 = arith.muli %add3A_201, %mul3A_255 : i32
    %add3A_257 = arith.constant 0 : i32
    %add3A_258 = arith.addi %mul3A_256, %add3A_257 : i32
    "tpu.region"() ({
      %run_scoped3A = tpu.sem_alloc : memref<!tpu.dma_semaphore, #tpu.memory_space<semaphore_mem>>
      %dma_start3A_403 = arith.constant 0 : i32
      %dma_start3A_404 = tpu.memref_slice %arg4[%add3A_258, %dma_start3A_403] : memref<32832x768xf32, #tpu.memory_space<hbm>> -> memref<57x768xf32, #tpu.memory_space<hbm>>
      %dma_start3A_405 = arith.constant 0 : i32
      %dma_start3A_406 = tpu.memref_slice %arg4[%add3A_258, %dma_start3A_405] : memref<32832x768xf32, #tpu.memory_space<hbm>> -> memref<57x768xf32, #tpu.memory_space<hbm>>
      tpu.enqueue_dma source(%arg7 : memref<57x768xf32, #tpu.memory_space<vmem>>) target(%dma_start3A_406 : memref<57x768xf32, #tpu.memory_space<hbm>>) target_semaphore(%run_scoped3A : memref<!tpu.dma_semaphore, #tpu.memory_space<semaphore_mem>>)
      %dma_wait3A_407 = arith.constant 0 : i32
      %dma_wait3A_408 = tpu.memref_slice %arg4[%add3A_258, %dma_wait3A_407] : memref<32832x768xf32, #tpu.memory_space<hbm>> -> memref<57x768xf32, #tpu.memory_space<hbm>>
      %dma_wait3A_409 = arith.constant 0 : i32
      %dma_wait3A_410 = tpu.memref_slice %arg4[%add3A_258, %dma_wait3A_409] : memref<32832x768xf32, #tpu.memory_space<hbm>> -> memref<57x768xf32, #tpu.memory_space<hbm>>
      tpu.wait_dma2 semaphore(%run_scoped3A : memref<!tpu.dma_semaphore, #tpu.memory_space<semaphore_mem>>) src(%arg7 : memref<57x768xf32, #tpu.memory_space<vmem>>) dst(%dma_wait3A_410 : memref<57x768xf32, #tpu.memory_space<hbm>>)
      tpu.yield
    }) : () -> ()
    %dma_start3A_259 = arith.constant 1 : i32
    %dma_start3A_260 = arith.constant 0 : i32
    %dma_start3A_261 = tpu.memref_slice %arg6[%dma_start3A_259, %dma_start3A_260] : memref<9x57xi32, #tpu.memory_space<vmem>> -> memref<1x57xi32, #tpu.memory_space<vmem>>
    %dma_start3A_262 = tpu.memref_squeeze %dma_start3A_261 : memref<1x57xi32, #tpu.memory_space<vmem>> -> memref<57xi32, #tpu.memory_space<vmem>>
    %dma_start3A_263 = arith.constant 0 : i32
    %dma_start3A_264 = arith.constant 0 : i32
    %dma_start3A_265 = tpu.memref_slice %arg2[%dma_start3A_263, %dma_start3A_264] : memref<65600x768xf32, #tpu.memory_space<hbm>> -> memref<65600x768xf32, #tpu.memory_space<hbm>>
    tpu.enqueue_indirect_dma source(%dma_start3A_265 : memref<65600x768xf32, #tpu.memory_space<hbm>>) target(%arg7 : memref<57x768xf32, #tpu.memory_space<vmem>>) offsets(%dma_start3A_262 : memref<57xi32, #tpu.memory_space<vmem>>) semaphore(%arg8 : memref<!tpu.dma_semaphore, #tpu.memory_space<semaphore_mem>>)
    %dma_wait3A_266 = arith.constant 1 : i32
    %dma_wait3A_267 = arith.constant 0 : i32
    %dma_wait3A_268 = tpu.memref_slice %arg6[%dma_wait3A_266, %dma_wait3A_267] : memref<9x57xi32, #tpu.memory_space<vmem>> -> memref<1x57xi32, #tpu.memory_space<vmem>>
    %dma_wait3A_269 = tpu.memref_squeeze %dma_wait3A_268 : memref<1x57xi32, #tpu.memory_space<vmem>> -> memref<57xi32, #tpu.memory_space<vmem>>
    %dma_wait3A_270 = arith.constant 0 : i32
    %dma_wait3A_271 = arith.constant 0 : i32
    %dma_wait3A_272 = tpu.memref_slice %arg2[%dma_wait3A_270, %dma_wait3A_271] : memref<65600x768xf32, #tpu.memory_space<hbm>> -> memref<65600x768xf32, #tpu.memory_space<hbm>>
    tpu.wait_indirect_dma semaphore(%arg8 : memref<!tpu.dma_semaphore, #tpu.memory_space<semaphore_mem>>) src(%dma_wait3A_272 : memref<65600x768xf32, #tpu.memory_space<hbm>>) dst(%arg7 : memref<57x768xf32, #tpu.memory_space<vmem>>)
    %mul3A_273 = arith.constant 513 : i32
    %mul3A_274 = arith.muli %add3A_201, %mul3A_273 : i32
    %add3A_275 = arith.constant 57 : i32
    %add3A_276 = arith.addi %mul3A_274, %add3A_275 : i32
    "tpu.region"() ({
      %run_scoped3A = tpu.sem_alloc : memref<!tpu.dma_semaphore, #tpu.memory_space<semaphore_mem>>
      %dma_start3A_403 = arith.constant 0 : i32
      %dma_start3A_404 = tpu.memref_slice %arg4[%add3A_276, %dma_start3A_403] : memref<32832x768xf32, #tpu.memory_space<hbm>> -> memref<57x768xf32, #tpu.memory_space<hbm>>
      %dma_start3A_405 = arith.constant 0 : i32
      %dma_start3A_406 = tpu.memref_slice %arg4[%add3A_276, %dma_start3A_405] : memref<32832x768xf32, #tpu.memory_space<hbm>> -> memref<57x768xf32, #tpu.memory_space<hbm>>
      tpu.enqueue_dma source(%arg7 : memref<57x768xf32, #tpu.memory_space<vmem>>) target(%dma_start3A_406 : memref<57x768xf32, #tpu.memory_space<hbm>>) target_semaphore(%run_scoped3A : memref<!tpu.dma_semaphore, #tpu.memory_space<semaphore_mem>>)
      %dma_wait3A_407 = arith.constant 0 : i32
      %dma_wait3A_408 = tpu.memref_slice %arg4[%add3A_276, %dma_wait3A_407] : memref<32832x768xf32, #tpu.memory_space<hbm>> -> memref<57x768xf32, #tpu.memory_space<hbm>>
      %dma_wait3A_409 = arith.constant 0 : i32
      %dma_wait3A_410 = tpu.memref_slice %arg4[%add3A_276, %dma_wait3A_409] : memref<32832x768xf32, #tpu.memory_space<hbm>> -> memref<57x768xf32, #tpu.memory_space<hbm>>
      tpu.wait_dma2 semaphore(%run_scoped3A : memref<!tpu.dma_semaphore, #tpu.memory_space<semaphore_mem>>) src(%arg7 : memref<57x768xf32, #tpu.memory_space<vmem>>) dst(%dma_wait3A_410 : memref<57x768xf32, #tpu.memory_space<hbm>>)
      tpu.yield
    }) : () -> ()
    %dma_start3A_277 = arith.constant 2 : i32
    %dma_start3A_278 = arith.constant 0 : i32
    %dma_start3A_279 = tpu.memref_slice %arg6[%dma_start3A_277, %dma_start3A_278] : memref<9x57xi32, #tpu.memory_space<vmem>> -> memref<1x57xi32, #tpu.memory_space<vmem>>
    %dma_start3A_280 = tpu.memref_squeeze %dma_start3A_279 : memref<1x57xi32, #tpu.memory_space<vmem>> -> memref<57xi32, #tpu.memory_space<vmem>>
    %dma_start3A_281 = arith.constant 0 : i32
    %dma_start3A_282 = arith.constant 0 : i32
    %dma_start3A_283 = tpu.memref_slice %arg2[%dma_start3A_281, %dma_start3A_282] : memref<65600x768xf32, #tpu.memory_space<hbm>> -> memref<65600x768xf32, #tpu.memory_space<hbm>>
    tpu.enqueue_indirect_dma source(%dma_start3A_283 : memref<65600x768xf32, #tpu.memory_space<hbm>>) target(%arg7 : memref<57x768xf32, #tpu.memory_space<vmem>>) offsets(%dma_start3A_280 : memref<57xi32, #tpu.memory_space<vmem>>) semaphore(%arg8 : memref<!tpu.dma_semaphore, #tpu.memory_space<semaphore_mem>>)
    %dma_wait3A_284 = arith.constant 2 : i32
    %dma_wait3A_285 = arith.constant 0 : i32
    %dma_wait3A_286 = tpu.memref_slice %arg6[%dma_wait3A_284, %dma_wait3A_285] : memref<9x57xi32, #tpu.memory_space<vmem>> -> memref<1x57xi32, #tpu.memory_space<vmem>>
    %dma_wait3A_287 = tpu.memref_squeeze %dma_wait3A_286 : memref<1x57xi32, #tpu.memory_space<vmem>> -> memref<57xi32, #tpu.memory_space<vmem>>
    %dma_wait3A_288 = arith.constant 0 : i32
    %dma_wait3A_289 = arith.constant 0 : i32
    %dma_wait3A_290 = tpu.memref_slice %arg2[%dma_wait3A_288, %dma_wait3A_289] : memref<65600x768xf32, #tpu.memory_space<hbm>> -> memref<65600x768xf32, #tpu.memory_space<hbm>>
    tpu.wait_indirect_dma semaphore(%arg8 : memref<!tpu.dma_semaphore, #tpu.memory_space<semaphore_mem>>) src(%dma_wait3A_290 : memref<65600x768xf32, #tpu.memory_space<hbm>>) dst(%arg7 : memref<57x768xf32, #tpu.memory_space<vmem>>)
    %mul3A_291 = arith.constant 513 : i32
    %mul3A_292 = arith.muli %add3A_201, %mul3A_291 : i32
    %add3A_293 = arith.constant 114 : i32
    %add3A_294 = arith.addi %mul3A_292, %add3A_293 : i32
    "tpu.region"() ({
      %run_scoped3A = tpu.sem_alloc : memref<!tpu.dma_semaphore, #tpu.memory_space<semaphore_mem>>
      %dma_start3A_403 = arith.constant 0 : i32
      %dma_start3A_404 = tpu.memref_slice %arg4[%add3A_294, %dma_start3A_403] : memref<32832x768xf32, #tpu.memory_space<hbm>> -> memref<57x768xf32, #tpu.memory_space<hbm>>
      %dma_start3A_405 = arith.constant 0 : i32
      %dma_start3A_406 = tpu.memref_slice %arg4[%add3A_294, %dma_start3A_405] : memref<32832x768xf32, #tpu.memory_space<hbm>> -> memref<57x768xf32, #tpu.memory_space<hbm>>
      tpu.enqueue_dma source(%arg7 : memref<57x768xf32, #tpu.memory_space<vmem>>) target(%dma_start3A_406 : memref<57x768xf32, #tpu.memory_space<hbm>>) target_semaphore(%run_scoped3A : memref<!tpu.dma_semaphore, #tpu.memory_space<semaphore_mem>>)
      %dma_wait3A_407 = arith.constant 0 : i32
      %dma_wait3A_408 = tpu.memref_slice %arg4[%add3A_294, %dma_wait3A_407] : memref<32832x768xf32, #tpu.memory_space<hbm>> -> memref<57x768xf32, #tpu.memory_space<hbm>>
      %dma_wait3A_409 = arith.constant 0 : i32
      %dma_wait3A_410 = tpu.memref_slice %arg4[%add3A_294, %dma_wait3A_409] : memref<32832x768xf32, #tpu.memory_space<hbm>> -> memref<57x768xf32, #tpu.memory_space<hbm>>
      tpu.wait_dma2 semaphore(%run_scoped3A : memref<!tpu.dma_semaphore, #tpu.memory_space<semaphore_mem>>) src(%arg7 : memref<57x768xf32, #tpu.memory_space<vmem>>) dst(%dma_wait3A_410 : memref<57x768xf32, #tpu.memory_space<hbm>>)
      tpu.yield
    }) : () -> ()
    %dma_start3A_295 = arith.constant 3 : i32
    %dma_start3A_296 = arith.constant 0 : i32
    %dma_start3A_297 = tpu.memref_slice %arg6[%dma_start3A_295, %dma_start3A_296] : memref<9x57xi32, #tpu.memory_space<vmem>> -> memref<1x57xi32, #tpu.memory_space<vmem>>
    %dma_start3A_298 = tpu.memref_squeeze %dma_start3A_297 : memref<1x57xi32, #tpu.memory_space<vmem>> -> memref<57xi32, #tpu.memory_space<vmem>>
    %dma_start3A_299 = arith.constant 0 : i32
    %dma_start3A_300 = arith.constant 0 : i32
    %dma_start3A_301 = tpu.memref_slice %arg2[%dma_start3A_299, %dma_start3A_300] : memref<65600x768xf32, #tpu.memory_space<hbm>> -> memref<65600x768xf32, #tpu.memory_space<hbm>>
    tpu.enqueue_indirect_dma source(%dma_start3A_301 : memref<65600x768xf32, #tpu.memory_space<hbm>>) target(%arg7 : memref<57x768xf32, #tpu.memory_space<vmem>>) offsets(%dma_start3A_298 : memref<57xi32, #tpu.memory_space<vmem>>) semaphore(%arg8 : memref<!tpu.dma_semaphore, #tpu.memory_space<semaphore_mem>>)
    %dma_wait3A_302 = arith.constant 3 : i32
    %dma_wait3A_303 = arith.constant 0 : i32
    %dma_wait3A_304 = tpu.memref_slice %arg6[%dma_wait3A_302, %dma_wait3A_303] : memref<9x57xi32, #tpu.memory_space<vmem>> -> memref<1x57xi32, #tpu.memory_space<vmem>>
    %dma_wait3A_305 = tpu.memref_squeeze %dma_wait3A_304 : memref<1x57xi32, #tpu.memory_space<vmem>> -> memref<57xi32, #tpu.memory_space<vmem>>
    %dma_wait3A_306 = arith.constant 0 : i32
    %dma_wait3A_307 = arith.constant 0 : i32
    %dma_wait3A_308 = tpu.memref_slice %arg2[%dma_wait3A_306, %dma_wait3A_307] : memref<65600x768xf32, #tpu.memory_space<hbm>> -> memref<65600x768xf32, #tpu.memory_space<hbm>>
    tpu.wait_indirect_dma semaphore(%arg8 : memref<!tpu.dma_semaphore, #tpu.memory_space<semaphore_mem>>) src(%dma_wait3A_308 : memref<65600x768xf32, #tpu.memory_space<hbm>>) dst(%arg7 : memref<57x768xf32, #tpu.memory_space<vmem>>)
    %mul3A_309 = arith.constant 513 : i32
    %mul3A_310 = arith.muli %add3A_201, %mul3A_309 : i32
    %add3A_311 = arith.constant 171 : i32
    %add3A_312 = arith.addi %mul3A_310, %add3A_311 : i32
    "tpu.region"() ({
      %run_scoped3A = tpu.sem_alloc : memref<!tpu.dma_semaphore, #tpu.memory_space<semaphore_mem>>
      %dma_start3A_403 = arith.constant 0 : i32
      %dma_start3A_404 = tpu.memref_slice %arg4[%add3A_312, %dma_start3A_403] : memref<32832x768xf32, #tpu.memory_space<hbm>> -> memref<57x768xf32, #tpu.memory_space<hbm>>
      %dma_start3A_405 = arith.constant 0 : i32
      %dma_start3A_406 = tpu.memref_slice %arg4[%add3A_312, %dma_start3A_405] : memref<32832x768xf32, #tpu.memory_space<hbm>> -> memref<57x768xf32, #tpu.memory_space<hbm>>
      tpu.enqueue_dma source(%arg7 : memref<57x768xf32, #tpu.memory_space<vmem>>) target(%dma_start3A_406 : memref<57x768xf32, #tpu.memory_space<hbm>>) target_semaphore(%run_scoped3A : memref<!tpu.dma_semaphore, #tpu.memory_space<semaphore_mem>>)
      %dma_wait3A_407 = arith.constant 0 : i32
      %dma_wait3A_408 = tpu.memref_slice %arg4[%add3A_312, %dma_wait3A_407] : memref<32832x768xf32, #tpu.memory_space<hbm>> -> memref<57x768xf32, #tpu.memory_space<hbm>>
      %dma_wait3A_409 = arith.constant 0 : i32
      %dma_wait3A_410 = tpu.memref_slice %arg4[%add3A_312, %dma_wait3A_409] : memref<32832x768xf32, #tpu.memory_space<hbm>> -> memref<57x768xf32, #tpu.memory_space<hbm>>
      tpu.wait_dma2 semaphore(%run_scoped3A : memref<!tpu.dma_semaphore, #tpu.memory_space<semaphore_mem>>) src(%arg7 : memref<57x768xf32, #tpu.memory_space<vmem>>) dst(%dma_wait3A_410 : memref<57x768xf32, #tpu.memory_space<hbm>>)
      tpu.yield
    }) : () -> ()
    %dma_start3A_313 = arith.constant 4 : i32
    %dma_start3A_314 = arith.constant 0 : i32
    %dma_start3A_315 = tpu.memref_slice %arg6[%dma_start3A_313, %dma_start3A_314] : memref<9x57xi32, #tpu.memory_space<vmem>> -> memref<1x57xi32, #tpu.memory_space<vmem>>
    %dma_start3A_316 = tpu.memref_squeeze %dma_start3A_315 : memref<1x57xi32, #tpu.memory_space<vmem>> -> memref<57xi32, #tpu.memory_space<vmem>>
    %dma_start3A_317 = arith.constant 0 : i32
    %dma_start3A_318 = arith.constant 0 : i32
    %dma_start3A_319 = tpu.memref_slice %arg2[%dma_start3A_317, %dma_start3A_318] : memref<65600x768xf32, #tpu.memory_space<hbm>> -> memref<65600x768xf32, #tpu.memory_space<hbm>>
    tpu.enqueue_indirect_dma source(%dma_start3A_319 : memref<65600x768xf32, #tpu.memory_space<hbm>>) target(%arg7 : memref<57x768xf32, #tpu.memory_space<vmem>>) offsets(%dma_start3A_316 : memref<57xi32, #tpu.memory_space<vmem>>) semaphore(%arg8 : memref<!tpu.dma_semaphore, #tpu.memory_space<semaphore_mem>>)
    %dma_wait3A_320 = arith.constant 4 : i32
    %dma_wait3A_321 = arith.constant 0 : i32
    %dma_wait3A_322 = tpu.memref_slice %arg6[%dma_wait3A_320, %dma_wait3A_321] : memref<9x57xi32, #tpu.memory_space<vmem>> -> memref<1x57xi32, #tpu.memory_space<vmem>>
    %dma_wait3A_323 = tpu.memref_squeeze %dma_wait3A_322 : memref<1x57xi32, #tpu.memory_space<vmem>> -> memref<57xi32, #tpu.memory_space<vmem>>
    %dma_wait3A_324 = arith.constant 0 : i32
    %dma_wait3A_325 = arith.constant 0 : i32
    %dma_wait3A_326 = tpu.memref_slice %arg2[%dma_wait3A_324, %dma_wait3A_325] : memref<65600x768xf32, #tpu.memory_space<hbm>> -> memref<65600x768xf32, #tpu.memory_space<hbm>>
    tpu.wait_indirect_dma semaphore(%arg8 : memref<!tpu.dma_semaphore, #tpu.memory_space<semaphore_mem>>) src(%dma_wait3A_326 : memref<65600x768xf32, #tpu.memory_space<hbm>>) dst(%arg7 : memref<57x768xf32, #tpu.memory_space<vmem>>)
    %mul3A_327 = arith.constant 513 : i32
    %mul3A_328 = arith.muli %add3A_201, %mul3A_327 : i32
    %add3A_329 = arith.constant 228 : i32
    %add3A_330 = arith.addi %mul3A_328, %add3A_329 : i32
    "tpu.region"() ({
      %run_scoped3A = tpu.sem_alloc : memref<!tpu.dma_semaphore, #tpu.memory_space<semaphore_mem>>
      %dma_start3A_403 = arith.constant 0 : i32
      %dma_start3A_404 = tpu.memref_slice %arg4[%add3A_330, %dma_start3A_403] : memref<32832x768xf32, #tpu.memory_space<hbm>> -> memref<57x768xf32, #tpu.memory_space<hbm>>
      %dma_start3A_405 = arith.constant 0 : i32
      %dma_start3A_406 = tpu.memref_slice %arg4[%add3A_330, %dma_start3A_405] : memref<32832x768xf32, #tpu.memory_space<hbm>> -> memref<57x768xf32, #tpu.memory_space<hbm>>
      tpu.enqueue_dma source(%arg7 : memref<57x768xf32, #tpu.memory_space<vmem>>) target(%dma_start3A_406 : memref<57x768xf32, #tpu.memory_space<hbm>>) target_semaphore(%run_scoped3A : memref<!tpu.dma_semaphore, #tpu.memory_space<semaphore_mem>>)
      %dma_wait3A_407 = arith.constant 0 : i32
      %dma_wait3A_408 = tpu.memref_slice %arg4[%add3A_330, %dma_wait3A_407] : memref<32832x768xf32, #tpu.memory_space<hbm>> -> memref<57x768xf32, #tpu.memory_space<hbm>>
      %dma_wait3A_409 = arith.constant 0 : i32
      %dma_wait3A_410 = tpu.memref_slice %arg4[%add3A_330, %dma_wait3A_409] : memref<32832x768xf32, #tpu.memory_space<hbm>> -> memref<57x768xf32, #tpu.memory_space<hbm>>
      tpu.wait_dma2 semaphore(%run_scoped3A : memref<!tpu.dma_semaphore, #tpu.memory_space<semaphore_mem>>) src(%arg7 : memref<57x768xf32, #tpu.memory_space<vmem>>) dst(%dma_wait3A_410 : memref<57x768xf32, #tpu.memory_space<hbm>>)
      tpu.yield
    }) : () -> ()
    %dma_start3A_331 = arith.constant 5 : i32
    %dma_start3A_332 = arith.constant 0 : i32
    %dma_start3A_333 = tpu.memref_slice %arg6[%dma_start3A_331, %dma_start3A_332] : memref<9x57xi32, #tpu.memory_space<vmem>> -> memref<1x57xi32, #tpu.memory_space<vmem>>
    %dma_start3A_334 = tpu.memref_squeeze %dma_start3A_333 : memref<1x57xi32, #tpu.memory_space<vmem>> -> memref<57xi32, #tpu.memory_space<vmem>>
    %dma_start3A_335 = arith.constant 0 : i32
    %dma_start3A_336 = arith.constant 0 : i32
    %dma_start3A_337 = tpu.memref_slice %arg2[%dma_start3A_335, %dma_start3A_336] : memref<65600x768xf32, #tpu.memory_space<hbm>> -> memref<65600x768xf32, #tpu.memory_space<hbm>>
    tpu.enqueue_indirect_dma source(%dma_start3A_337 : memref<65600x768xf32, #tpu.memory_space<hbm>>) target(%arg7 : memref<57x768xf32, #tpu.memory_space<vmem>>) offsets(%dma_start3A_334 : memref<57xi32, #tpu.memory_space<vmem>>) semaphore(%arg8 : memref<!tpu.dma_semaphore, #tpu.memory_space<semaphore_mem>>)
    %dma_wait3A_338 = arith.constant 5 : i32
    %dma_wait3A_339 = arith.constant 0 : i32
    %dma_wait3A_340 = tpu.memref_slice %arg6[%dma_wait3A_338, %dma_wait3A_339] : memref<9x57xi32, #tpu.memory_space<vmem>> -> memref<1x57xi32, #tpu.memory_space<vmem>>
    %dma_wait3A_341 = tpu.memref_squeeze %dma_wait3A_340 : memref<1x57xi32, #tpu.memory_space<vmem>> -> memref<57xi32, #tpu.memory_space<vmem>>
    %dma_wait3A_342 = arith.constant 0 : i32
    %dma_wait3A_343 = arith.constant 0 : i32
    %dma_wait3A_344 = tpu.memref_slice %arg2[%dma_wait3A_342, %dma_wait3A_343] : memref<65600x768xf32, #tpu.memory_space<hbm>> -> memref<65600x768xf32, #tpu.memory_space<hbm>>
    tpu.wait_indirect_dma semaphore(%arg8 : memref<!tpu.dma_semaphore, #tpu.memory_space<semaphore_mem>>) src(%dma_wait3A_344 : memref<65600x768xf32, #tpu.memory_space<hbm>>) dst(%arg7 : memref<57x768xf32, #tpu.memory_space<vmem>>)
    %mul3A_345 = arith.constant 513 : i32
    %mul3A_346 = arith.muli %add3A_201, %mul3A_345 : i32
    %add3A_347 = arith.constant 285 : i32
    %add3A_348 = arith.addi %mul3A_346, %add3A_347 : i32
    "tpu.region"() ({
      %run_scoped3A = tpu.sem_alloc : memref<!tpu.dma_semaphore, #tpu.memory_space<semaphore_mem>>
      %dma_start3A_403 = arith.constant 0 : i32
      %dma_start3A_404 = tpu.memref_slice %arg4[%add3A_348, %dma_start3A_403] : memref<32832x768xf32, #tpu.memory_space<hbm>> -> memref<57x768xf32, #tpu.memory_space<hbm>>
      %dma_start3A_405 = arith.constant 0 : i32
      %dma_start3A_406 = tpu.memref_slice %arg4[%add3A_348, %dma_start3A_405] : memref<32832x768xf32, #tpu.memory_space<hbm>> -> memref<57x768xf32, #tpu.memory_space<hbm>>
      tpu.enqueue_dma source(%arg7 : memref<57x768xf32, #tpu.memory_space<vmem>>) target(%dma_start3A_406 : memref<57x768xf32, #tpu.memory_space<hbm>>) target_semaphore(%run_scoped3A : memref<!tpu.dma_semaphore, #tpu.memory_space<semaphore_mem>>)
      %dma_wait3A_407 = arith.constant 0 : i32
      %dma_wait3A_408 = tpu.memref_slice %arg4[%add3A_348, %dma_wait3A_407] : memref<32832x768xf32, #tpu.memory_space<hbm>> -> memref<57x768xf32, #tpu.memory_space<hbm>>
      %dma_wait3A_409 = arith.constant 0 : i32
      %dma_wait3A_410 = tpu.memref_slice %arg4[%add3A_348, %dma_wait3A_409] : memref<32832x768xf32, #tpu.memory_space<hbm>> -> memref<57x768xf32, #tpu.memory_space<hbm>>
      tpu.wait_dma2 semaphore(%run_scoped3A : memref<!tpu.dma_semaphore, #tpu.memory_space<semaphore_mem>>) src(%arg7 : memref<57x768xf32, #tpu.memory_space<vmem>>) dst(%dma_wait3A_410 : memref<57x768xf32, #tpu.memory_space<hbm>>)
      tpu.yield
    }) : () -> ()
    %dma_start3A_349 = arith.constant 6 : i32
    %dma_start3A_350 = arith.constant 0 : i32
    %dma_start3A_351 = tpu.memref_slice %arg6[%dma_start3A_349, %dma_start3A_350] : memref<9x57xi32, #tpu.memory_space<vmem>> -> memref<1x57xi32, #tpu.memory_space<vmem>>
    %dma_start3A_352 = tpu.memref_squeeze %dma_start3A_351 : memref<1x57xi32, #tpu.memory_space<vmem>> -> memref<57xi32, #tpu.memory_space<vmem>>
    %dma_start3A_353 = arith.constant 0 : i32
    %dma_start3A_354 = arith.constant 0 : i32
    %dma_start3A_355 = tpu.memref_slice %arg2[%dma_start3A_353, %dma_start3A_354] : memref<65600x768xf32, #tpu.memory_space<hbm>> -> memref<65600x768xf32, #tpu.memory_space<hbm>>
    tpu.enqueue_indirect_dma source(%dma_start3A_355 : memref<65600x768xf32, #tpu.memory_space<hbm>>) target(%arg7 : memref<57x768xf32, #tpu.memory_space<vmem>>) offsets(%dma_start3A_352 : memref<57xi32, #tpu.memory_space<vmem>>) semaphore(%arg8 : memref<!tpu.dma_semaphore, #tpu.memory_space<semaphore_mem>>)
    %dma_wait3A_356 = arith.constant 6 : i32
    %dma_wait3A_357 = arith.constant 0 : i32
    %dma_wait3A_358 = tpu.memref_slice %arg6[%dma_wait3A_356, %dma_wait3A_357] : memref<9x57xi32, #tpu.memory_space<vmem>> -> memref<1x57xi32, #tpu.memory_space<vmem>>
    %dma_wait3A_359 = tpu.memref_squeeze %dma_wait3A_358 : memref<1x57xi32, #tpu.memory_space<vmem>> -> memref<57xi32, #tpu.memory_space<vmem>>
    %dma_wait3A_360 = arith.constant 0 : i32
    %dma_wait3A_361 = arith.constant 0 : i32
    %dma_wait3A_362 = tpu.memref_slice %arg2[%dma_wait3A_360, %dma_wait3A_361] : memref<65600x768xf32, #tpu.memory_space<hbm>> -> memref<65600x768xf32, #tpu.memory_space<hbm>>
    tpu.wait_indirect_dma semaphore(%arg8 : memref<!tpu.dma_semaphore, #tpu.memory_space<semaphore_mem>>) src(%dma_wait3A_362 : memref<65600x768xf32, #tpu.memory_space<hbm>>) dst(%arg7 : memref<57x768xf32, #tpu.memory_space<vmem>>)
    %mul3A_363 = arith.constant 513 : i32
    %mul3A_364 = arith.muli %add3A_201, %mul3A_363 : i32
    %add3A_365 = arith.constant 342 : i32
    %add3A_366 = arith.addi %mul3A_364, %add3A_365 : i32
    "tpu.region"() ({
      %run_scoped3A = tpu.sem_alloc : memref<!tpu.dma_semaphore, #tpu.memory_space<semaphore_mem>>
      %dma_start3A_403 = arith.constant 0 : i32
      %dma_start3A_404 = tpu.memref_slice %arg4[%add3A_366, %dma_start3A_403] : memref<32832x768xf32, #tpu.memory_space<hbm>> -> memref<57x768xf32, #tpu.memory_space<hbm>>
      %dma_start3A_405 = arith.constant 0 : i32
      %dma_start3A_406 = tpu.memref_slice %arg4[%add3A_366, %dma_start3A_405] : memref<32832x768xf32, #tpu.memory_space<hbm>> -> memref<57x768xf32, #tpu.memory_space<hbm>>
      tpu.enqueue_dma source(%arg7 : memref<57x768xf32, #tpu.memory_space<vmem>>) target(%dma_start3A_406 : memref<57x768xf32, #tpu.memory_space<hbm>>) target_semaphore(%run_scoped3A : memref<!tpu.dma_semaphore, #tpu.memory_space<semaphore_mem>>)
      %dma_wait3A_407 = arith.constant 0 : i32
      %dma_wait3A_408 = tpu.memref_slice %arg4[%add3A_366, %dma_wait3A_407] : memref<32832x768xf32, #tpu.memory_space<hbm>> -> memref<57x768xf32, #tpu.memory_space<hbm>>
      %dma_wait3A_409 = arith.constant 0 : i32
      %dma_wait3A_410 = tpu.memref_slice %arg4[%add3A_366, %dma_wait3A_409] : memref<32832x768xf32, #tpu.memory_space<hbm>> -> memref<57x768xf32, #tpu.memory_space<hbm>>
      tpu.wait_dma2 semaphore(%run_scoped3A : memref<!tpu.dma_semaphore, #tpu.memory_space<semaphore_mem>>) src(%arg7 : memref<57x768xf32, #tpu.memory_space<vmem>>) dst(%dma_wait3A_410 : memref<57x768xf32, #tpu.memory_space<hbm>>)
      tpu.yield
    }) : () -> ()
    %dma_start3A_367 = arith.constant 7 : i32
    %dma_start3A_368 = arith.constant 0 : i32
    %dma_start3A_369 = tpu.memref_slice %arg6[%dma_start3A_367, %dma_start3A_368] : memref<9x57xi32, #tpu.memory_space<vmem>> -> memref<1x57xi32, #tpu.memory_space<vmem>>
    %dma_start3A_370 = tpu.memref_squeeze %dma_start3A_369 : memref<1x57xi32, #tpu.memory_space<vmem>> -> memref<57xi32, #tpu.memory_space<vmem>>
    %dma_start3A_371 = arith.constant 0 : i32
    %dma_start3A_372 = arith.constant 0 : i32
    %dma_start3A_373 = tpu.memref_slice %arg2[%dma_start3A_371, %dma_start3A_372] : memref<65600x768xf32, #tpu.memory_space<hbm>> -> memref<65600x768xf32, #tpu.memory_space<hbm>>
    tpu.enqueue_indirect_dma source(%dma_start3A_373 : memref<65600x768xf32, #tpu.memory_space<hbm>>) target(%arg7 : memref<57x768xf32, #tpu.memory_space<vmem>>) offsets(%dma_start3A_370 : memref<57xi32, #tpu.memory_space<vmem>>) semaphore(%arg8 : memref<!tpu.dma_semaphore, #tpu.memory_space<semaphore_mem>>)
    %dma_wait3A_374 = arith.constant 7 : i32
    %dma_wait3A_375 = arith.constant 0 : i32
    %dma_wait3A_376 = tpu.memref_slice %arg6[%dma_wait3A_374, %dma_wait3A_375] : memref<9x57xi32, #tpu.memory_space<vmem>> -> memref<1x57xi32, #tpu.memory_space<vmem>>
    %dma_wait3A_377 = tpu.memref_squeeze %dma_wait3A_376 : memref<1x57xi32, #tpu.memory_space<vmem>> -> memref<57xi32, #tpu.memory_space<vmem>>
    %dma_wait3A_378 = arith.constant 0 : i32
    %dma_wait3A_379 = arith.constant 0 : i32
    %dma_wait3A_380 = tpu.memref_slice %arg2[%dma_wait3A_378, %dma_wait3A_379] : memref<65600x768xf32, #tpu.memory_space<hbm>> -> memref<65600x768xf32, #tpu.memory_space<hbm>>
    tpu.wait_indirect_dma semaphore(%arg8 : memref<!tpu.dma_semaphore, #tpu.memory_space<semaphore_mem>>) src(%dma_wait3A_380 : memref<65600x768xf32, #tpu.memory_space<hbm>>) dst(%arg7 : memref<57x768xf32, #tpu.memory_space<vmem>>)
    %mul3A_381 = arith.constant 513 : i32
    %mul3A_382 = arith.muli %add3A_201, %mul3A_381 : i32
    %add3A_383 = arith.constant 399 : i32
    %add3A_384 = arith.addi %mul3A_382, %add3A_383 : i32
    "tpu.region"() ({
      %run_scoped3A = tpu.sem_alloc : memref<!tpu.dma_semaphore, #tpu.memory_space<semaphore_mem>>
      %dma_start3A_403 = arith.constant 0 : i32
      %dma_start3A_404 = tpu.memref_slice %arg4[%add3A_384, %dma_start3A_403] : memref<32832x768xf32, #tpu.memory_space<hbm>> -> memref<57x768xf32, #tpu.memory_space<hbm>>
      %dma_start3A_405 = arith.constant 0 : i32
      %dma_start3A_406 = tpu.memref_slice %arg4[%add3A_384, %dma_start3A_405] : memref<32832x768xf32, #tpu.memory_space<hbm>> -> memref<57x768xf32, #tpu.memory_space<hbm>>
      tpu.enqueue_dma source(%arg7 : memref<57x768xf32, #tpu.memory_space<vmem>>) target(%dma_start3A_406 : memref<57x768xf32, #tpu.memory_space<hbm>>) target_semaphore(%run_scoped3A : memref<!tpu.dma_semaphore, #tpu.memory_space<semaphore_mem>>)
      %dma_wait3A_407 = arith.constant 0 : i32
      %dma_wait3A_408 = tpu.memref_slice %arg4[%add3A_384, %dma_wait3A_407] : memref<32832x768xf32, #tpu.memory_space<hbm>> -> memref<57x768xf32, #tpu.memory_space<hbm>>
      %dma_wait3A_409 = arith.constant 0 : i32
      %dma_wait3A_410 = tpu.memref_slice %arg4[%add3A_384, %dma_wait3A_409] : memref<32832x768xf32, #tpu.memory_space<hbm>> -> memref<57x768xf32, #tpu.memory_space<hbm>>
      tpu.wait_dma2 semaphore(%run_scoped3A : memref<!tpu.dma_semaphore, #tpu.memory_space<semaphore_mem>>) src(%arg7 : memref<57x768xf32, #tpu.memory_space<vmem>>) dst(%dma_wait3A_410 : memref<57x768xf32, #tpu.memory_space<hbm>>)
      tpu.yield
    }) : () -> ()
    %dma_start3A_385 = arith.constant 8 : i32
    %dma_start3A_386 = arith.constant 0 : i32
    %dma_start3A_387 = tpu.memref_slice %arg6[%dma_start3A_385, %dma_start3A_386] : memref<9x57xi32, #tpu.memory_space<vmem>> -> memref<1x57xi32, #tpu.memory_space<vmem>>
    %dma_start3A_388 = tpu.memref_squeeze %dma_start3A_387 : memref<1x57xi32, #tpu.memory_space<vmem>> -> memref<57xi32, #tpu.memory_space<vmem>>
    %dma_start3A_389 = arith.constant 0 : i32
    %dma_start3A_390 = arith.constant 0 : i32
    %dma_start3A_391 = tpu.memref_slice %arg2[%dma_start3A_389, %dma_start3A_390] : memref<65600x768xf32, #tpu.memory_space<hbm>> -> memref<65600x768xf32, #tpu.memory_space<hbm>>
    tpu.enqueue_indirect_dma source(%dma_start3A_391 : memref<65600x768xf32, #tpu.memory_space<hbm>>) target(%arg7 : memref<57x768xf32, #tpu.memory_space<vmem>>) offsets(%dma_start3A_388 : memref<57xi32, #tpu.memory_space<vmem>>) semaphore(%arg8 : memref<!tpu.dma_semaphore, #tpu.memory_space<semaphore_mem>>)
    %dma_wait3A_392 = arith.constant 8 : i32
    %dma_wait3A_393 = arith.constant 0 : i32
    %dma_wait3A_394 = tpu.memref_slice %arg6[%dma_wait3A_392, %dma_wait3A_393] : memref<9x57xi32, #tpu.memory_space<vmem>> -> memref<1x57xi32, #tpu.memory_space<vmem>>
    %dma_wait3A_395 = tpu.memref_squeeze %dma_wait3A_394 : memref<1x57xi32, #tpu.memory_space<vmem>> -> memref<57xi32, #tpu.memory_space<vmem>>
    %dma_wait3A_396 = arith.constant 0 : i32
    %dma_wait3A_397 = arith.constant 0 : i32
    %dma_wait3A_398 = tpu.memref_slice %arg2[%dma_wait3A_396, %dma_wait3A_397] : memref<65600x768xf32, #tpu.memory_space<hbm>> -> memref<65600x768xf32, #tpu.memory_space<hbm>>
    tpu.wait_indirect_dma semaphore(%arg8 : memref<!tpu.dma_semaphore, #tpu.memory_space<semaphore_mem>>) src(%dma_wait3A_398 : memref<65600x768xf32, #tpu.memory_space<hbm>>) dst(%arg7 : memref<57x768xf32, #tpu.memory_space<vmem>>)
    %mul3A_399 = arith.constant 513 : i32
    %mul3A_400 = arith.muli %add3A_201, %mul3A_399 : i32
    %add3A_401 = arith.constant 456 : i32
    %add3A_402 = arith.addi %mul3A_400, %add3A_401 : i32
    "tpu.region"() ({
      %run_scoped3A = tpu.sem_alloc : memref<!tpu.dma_semaphore, #tpu.memory_space<semaphore_mem>>
      %dma_start3A_403 = arith.constant 0 : i32
      %dma_start3A_404 = tpu.memref_slice %arg4[%add3A_402, %dma_start3A_403] : memref<32832x768xf32, #tpu.memory_space<hbm>> -> memref<57x768xf32, #tpu.memory_space<hbm>>
      %dma_start3A_405 = arith.constant 0 : i32
      %dma_start3A_406 = tpu.memref_slice %arg4[%add3A_402, %dma_start3A_405] : memref<32832x768xf32, #tpu.memory_space<hbm>> -> memref<57x768xf32, #tpu.memory_space<hbm>>
      tpu.enqueue_dma source(%arg7 : memref<57x768xf32, #tpu.memory_space<vmem>>) target(%dma_start3A_406 : memref<57x768xf32, #tpu.memory_space<hbm>>) target_semaphore(%run_scoped3A : memref<!tpu.dma_semaphore, #tpu.memory_space<semaphore_mem>>)
      %dma_wait3A_407 = arith.constant 0 : i32
      %dma_wait3A_408 = tpu.memref_slice %arg4[%add3A_402, %dma_wait3A_407] : memref<32832x768xf32, #tpu.memory_space<hbm>> -> memref<57x768xf32, #tpu.memory_space<hbm>>
      %dma_wait3A_409 = arith.constant 0 : i32
      %dma_wait3A_410 = tpu.memref_slice %arg4[%add3A_402, %dma_wait3A_409] : memref<32832x768xf32, #tpu.memory_space<hbm>> -> memref<57x768xf32, #tpu.memory_space<hbm>>
      tpu.wait_dma2 semaphore(%run_scoped3A : memref<!tpu.dma_semaphore, #tpu.memory_space<semaphore_mem>>) src(%arg7 : memref<57x768xf32, #tpu.memory_space<vmem>>) dst(%dma_wait3A_410 : memref<57x768xf32, #tpu.memory_space<hbm>>)
      tpu.yield
    }) : () -> ()
    return
  }
}

</mosaic_0001>

<sc_bundles>
// kernel: kernel.3.cloned.1.call-start
scs
__scs_entry_jumppad:
0x0: {  	(pc) =	sbr.rel $0x88, $3  }
0x1: {  	(tag) =	ssettag $0x0;
	lr =	simm.s32 $0x1  }
0x2: {  	[smem:$0x3F9F] =	sst lr;
	_ =	strace $0xD0000000  }
0x3: {  	_ = 	snop  }
0x4: {  	_ = 	snop  }
0x5: {  	_ = 	snop  }
0x6: {  	_ = 	snop  }
0x7: {  	_ = 	snop  }
__scs_overlays_trampoline_lowered:
0x8: {  	[smem:$0x3FAE] =	sst s0  }
0x9: {  	[smem:$0x3FAF] =	sst s1  }
0xa: {  	[smem:$0x3FB0] =	sst s2  }
0xb: {  	[smem:$0x3FB1] =	sst s3  }
0xc: {  	[smem:$0x3FB2] =	sst s4  }
0xd: {  	[smem:$0x3FB3] =	sst s5  }
0xe: {  	[smem:$0x3FB4] =	sst s6  }
0xf: {  	[smem:$0x3FB5] =	sst s7  }
0x10: {  	[smem:$0x3FB6] =	sst s8  }
0x11: {  	[smem:$0x3FB7] =	sst s9;
	s0 =	simm.s32 @!p0 $0x0  }
0x12: {  	s1 =	sld [smem:$0x3F9D];
	s0 =	simm.s32 @p0 $0x1  }
0x13: {  	[smem:$0x3FB8] =	sst s0;
	s0 =	simm.s32 @!p1 $0x0  }
0x14: {  	s2 =	sld [smem:$0x3F9C];
	s0 =	simm.s32 @p1 $0x1  }
0x15: {  	[smem:$0x3FB9] =	sst s0;
	s0 =	simm.s32 @!p2 $0x0  }
0x16: {  	s3 =	sld [smem:$0x3FDB];
	s0 =	simm.s32 @p2 $0x1  }
0x17: {  	s4 =	simm.s32 $0x1BF5;
	[smem:$0x3FBB] =	sst s0  }
0x18: {  	s0 =	sld [smem:$0x3F9E];
	_ =	swait.ge [sflag:s4], $0x0  }
0x19: {  	s7 =	sld [smem:$0x3F9F]  }
0x1a: {  	s8 =	sadd.s32 $0xFFFFE003, lr  }
0x1b: {  	s9 =	sadd.s32 $0xFFFFFEF7, lr;
	s5 =	simm.s32 $0xFFFFFFFF;
	p2 =	slt.u32 s8, $0xFFFFF086  }
0x1c: {  	p1 =	slt.u32 s9, $0xF7A;
	s5 =	simm.s32 @!p2 $0x0  }
0x1d: {  	s5 =	simm.s32 @p1 $0x1;
	p0 =	seq.s32 s7, s2  }
0x1e: {  	s7 =	smul.u32 @!p0 $0xF7A, s2;
	p2 =	seq.s32 @!p0 s5, $0x0  }
0x1f: {  	s9 =	smul.u32 $0xF7A, s1;
	s8 =	simm.s32 @!p0 $0x1BF5;
	p2 =	por !p2, p0  }
0x20: {  	[sflag:s8] =	ssyncset.s32 @!p0 $0xFFFFF086;
	s6 =	sadd.s32 @!p0 s3, s7;
	s7 =	simm.s32 @!p0 $0x108  }
0x21: {  	s3 =	sadd.s32 s3, s9;
	s6 =	sadd.s32 @!p0 $0x88, s6;
	s7 =	simm.s32 @p2 $0x1082  }
0x22: {  	[simem:s7], [sflag:s8] =	dma.local @!p0 [hbm:s6], $0xF7A  }
0x23: {  	s9 =	sor.u32 $0xD0000000, s2;
	s6 =	simm.s32 $0x108;
	_ =	swait.ge @!p0 [sflag:s8], $0x0  }
0x24: {  	s3 =	sadd.s32 $0x88, s3;
	s6 =	simm.s32 @!p1 $0x1082;
	[sflag:s4] =	ssyncset.s32 $0xFFFFF086  }
0x25: {  	[simem:s6], [sflag:s4] =	dma.local [hbm:s3], $0xF7A  }
0x26: {  	[smem:$0x3F9F] =	sst s1;
	(tag) =	ssettag s2;
	_ =	strace s9  }
0x27: {  	s1 =	sld [smem:$0x3FAF]  }
0x28: {  	s2 =	sld [smem:$0x3FB0]  }
0x29: {  	s4 =	sld [smem:$0x3FB2]  }
0x2a: {  	p0 =	seq.s32 s5, $0x0;
	s5 =	sld [smem:$0x3FB3]  }
0x2b: {  	s6 =	sld [smem:$0x3FB4]  }
0x2c: {  	s7 =	sld [smem:$0x3FB5]  }
0x2d: {  	s3 =	simm.s32 $0x108;
	s8 =	sld [smem:$0x3FB6]  }
0x2e: {  	s3 =	simm.s32 @!p0 $0x1082;
	s9 =	sld [smem:$0x3FB7]  }
0x2f: {  	lr =	sadd.s32 s0, s3;
	s0 =	sld [smem:$0x3FAE]  }
0x30: {  	s3 =	sld [smem:$0x3FB1]  }
0x31: {  	[smem:$0x3FBA] =	sst s10  }
0x32: {  	s10 =	sld [smem:$0x3FB8];
	_ =	sdelay $0x3  }
0x33: {  	p0 =	seq.s32 s10, $0x1;
	s10 =	sld [smem:$0x3FBA];
	_ =	sdelay $0x3  }
0x34: {  	[smem:$0x3FBA] =	sst s10  }
0x35: {  	s10 =	sld [smem:$0x3FB9];
	_ =	sdelay $0x3  }
0x36: {  	p1 =	seq.s32 s10, $0x1;
	s10 =	sld [smem:$0x3FBA];
	_ =	sdelay $0x3  }
0x37: {  	[smem:$0x3FBA] =	sst s10  }
0x38: {  	s10 =	sld [smem:$0x3FBB]  }
0x39: {  	_ = 	snop;
	(pc) =	sbr.ind lr, $3  }
0x3a: {  	_ = 	snop  }
0x3b: {  	_ = 	snop  }
0x3c: {  	p2 =	seq.s32 s10, $0x1;
	s10 =	sld [smem:$0x3FBA]  }
0x3d: {  	_ =	shalt  }
0x3e: {  	_ =	shalt  }
0x3f: {  	_ =	shalt  }
0x40: {  	_ =	shalt  }
0x41: {  	_ =	shalt  }
0x42: {  	_ =	shalt  }
0x43: {  	_ =	shalt  }
0x44: {  	_ =	shalt  }
0x45: {  	_ =	shalt  }
0x46: {  	_ =	shalt  }
0x47: {  	_ =	shalt  }
0x48: {  	_ =	shalt  }
0x49: {  	_ =	shalt  }
0x4a: {  	_ =	shalt  }
0x4b: {  	_ =	shalt  }
0x4c: {  	_ =	shalt  }
0x4d: {  	_ =	shalt  }
0x4e: {  	_ =	shalt  }
0x4f: {  	_ =	shalt  }
0x50: {  	_ =	shalt  }
0x51: {  	_ =	shalt  }
0x52: {  	_ =	shalt  }
0x53: {  	_ =	shalt  }
0x54: {  	_ =	shalt  }
0x55: {  	_ =	shalt  }
0x56: {  	_ =	shalt  }
0x57: {  	_ =	shalt  }
0x58: {  	_ =	shalt  }
0x59: {  	_ =	shalt  }
0x5a: {  	_ =	shalt  }
0x5b: {  	_ =	shalt  }
0x5c: {  	_ =	shalt  }
0x5d: {  	_ =	shalt  }
0x5e: {  	_ =	shalt  }
0x5f: {  	_ =	shalt  }
0x60: {  	_ =	shalt  }
0x61: {  	_ =	shalt  }
0x62: {  	_ =	shalt  }
0x63: {  	_ =	shalt  }
0x64: {  	_ =	shalt  }
0x65: {  	_ =	shalt  }
0x66: {  	_ =	shalt  }
0x67: {  	_ =	shalt  }
0x68: {  	_ =	shalt  }
0x69: {  	_ =	shalt  }
0x6a: {  	_ =	shalt  }
0x6b: {  	_ =	shalt  }
0x6c: {  	_ =	shalt  }
0x6d: {  	_ =	shalt  }
0x6e: {  	_ =	shalt  }
0x6f: {  	_ =	shalt  }
0x70: {  	_ =	shalt  }
0x71: {  	_ =	shalt  }
0x72: {  	_ =	shalt  }
0x73: {  	_ =	shalt  }
0x74: {  	_ =	shalt  }
0x75: {  	_ =	shalt  }
0x76: {  	_ =	shalt  }
0x77: {  	_ =	shalt  }
0x78: {  	_ =	shalt  }
0x79: {  	_ =	shalt  }
0x7a: {  	_ =	shalt  }
0x7b: {  	_ =	shalt  }
0x7c: {  	_ =	shalt  }
0x7d: {  	_ =	shalt  }
0x7e: {  	_ =	shalt  }
0x7f: {  	_ =	shalt  }
0x80: {  	_ =	shalt  }
0x81: {  	_ =	shalt  }
0x82: {  	_ =	shalt  }
0x83: {  	_ =	shalt  }
0x84: {  	_ =	shalt  }
0x85: {  	_ =	shalt  }
0x86: {  	_ =	shalt  }
0x87: {  	_ =	shalt  }
.Lfunc_end0:
.L_simem_size_0:
called_computation.1_lowered:
.L_overlay_start_0:
0x88: {  	s2 =	sld [smem:$0x3FD9]  }
0x89: {  	s3 =	sld [smem:$0x3FFE];
	_ =	sdelay $0x1  }
0x8a: {  	s1 =	srdreg.scid  }
0x8b: {  	s0 =	sand.u32 $0x1, s1  }
0x8c: {  	s17 =	sshll.u32 s0, $0xA;
	s2 =	sadd.s32 s3, s2  }
0x8d: {  	s2 =	sadd.s32 s2, s17  }
0x8e: {  	[smem:$0x3FC6] =	sst s2  }
0x8f: {  	_ = 	snop  }
0x90: {  	s2 =	sld [smem:$0x3FD0];
	(tm) =	ssettm $0x1  }
0x91: {  	s18 =	sld [smem:$0x3FFB];
	_ =	sdelay $0x3  }
0x92: {  	_ =	strace s18  }
0x93: {  	s3 =	sld [smem:$0x3FFC];
	_ =	sdelay $0x3  }
0x94: {  	_ =	strace s3  }
0x95: {  	s3 =	sld [smem:$0x3FFD];
	_ =	sdelay $0x3  }
0x96: {  	_ =	strace s3  }
0x97: {  	_ =	strace $0x8FFFFFFF  }
0x98: {  	s19 =	sld [smem:$0x3FDB];
	_ =	sdelay $0x1  }
0x99: {  	s4 =	simm.s32 $_scs_section_size  }
0x9a: {  	s5 =	simm.s32 $_size__tile_overlayer_lowered;
	s6 =	simm.s32 $_tile_overlayer_lowered  }
0x9b: {  	s22 =	simm.s32 $0x1BFF;
	s21 =	sshll.u32 s6, $0x1;
	s3 =	sadd.s32 s4, s19  }
0x9c: {  	s7 =	simm.s32 $0x0;
	s20 =	sshll.u32 s5, $0x1;
	s5 =	sadd.s32 s21, s3  }
0x9d: {  	[timem:s7], [sflag:s22] =	dma.local [hbm:s5], s20  }
0x9e: {  	_ =	swait.ge [sflag:s22], s20  }
0x9f: {  	s4 =	ssub.s32 $0x0, s20;
	[sflag:s22] =	ssyncset.done $0x0  }
0xa0: {  	[sflag:s22] =	ssyncadd.s32 s4;
	_ =	sdelay $0x1  }
0xa1: {  	s23 =	simm.s32 $0x1B8B  }
0xa2: {  	_ =	swait.ge [sflag:s23], $0x1  }
0xa3: {  	[sflag:s23] =	ssyncset.done $0x0  }
0xa4: {  	s25 =	simm.s32 $0x1B8E;
	s24 =	sld [smem:$0x3FFE];
	[sflag:s23] =	ssyncadd.s32 $0xFFFFFFFF  }
0xa5: {  	s26 =	simm.s32 $execute0_lowered;
	[smem:$0x3FD2] =	sst s25  }
0xa6: {  	s5 =	sshll.u32 s26, $0x1;
	_ =	strace $0x80000046;
	[dreg:$0x1] =	wrdreg $0xFFFFFFFF  }
0xa7: {  	s28 =	simm.s32 $_size_execute0_lowered;
	s3 =	sadd.s32 s3, s5;
	[dreg:$0x0] =	wrdreg $0x0  }
0xa8: {  	s5 =	sshll.u32 s28, $0x1;
	[dreg:$0x2] =	wrdreg s3  }
0xa9: {  	[dreg:$0x3] =	wrdreg s5  }
0xaa: {  	[dreg:$0x4] =	wrdreg $0xC0  }
0xab: {  	_ =	task [dreg:s7], $0x5FFFF  }
0xac: {  	[dreg:$0x1] =	wrdreg $0xFFFFFFFF  }
0xad: {  	[dreg:$0x0] =	wrdreg $0x60  }
0xae: {  	[dreg:$0x2] =	wrdreg s24  }
0xaf: {  	[dreg:$0x3] =	wrdreg s2  }
0xb0: {  	[dreg:$0x4] =	wrdreg $0x9  }
0xb1: {  	_ =	task.clear_ibuf [dreg:s7], $0x5FFFF;
	_ =	strace $0x90000046  }
0xb2: {  	s29 =	simm.s32 $0x9;
	_ =	strace $0x80000048  }
0xb3: {  	_ =	swait.ge [sflag:s29], $0x1  }
0xb4: {  	[sflag:s29] =	ssyncadd.s32 $0xFFFFFFFF  }
0xb5: {  	_ =	strace $0x90000048  }
0xb6: {  	_ =	sfence  }
0xb7: {  	s30 =	sld [smem:$0x0];
	_ =	sdelay $0x2  }
0xb8: {  	s31 =	sshll.u32 s1, $0xD;
	s1 =	sshrl.u32 s1, $0x2  }
0xb9: {  	s3 =	sand.u32 $0x4000, s31;
	s1 =	sadd.s32 s1, s30  }
0xba: {  	s0 =	sor.u32 s3, s0;
	s1 =	sshll.u32 s1, $0x11  }
0xbb: {  	s0 =	sor.u32 s1, s0  }
0xbc: {  	s0 =	sadd.s32 $0x8F2B, s0  }
0xbd: {  	[sflag:s0] =	ssyncadd.remote.s32 $0x1  }
0xbe: {  	_ =	sfence.sel $0xFFFF  }
0xbf: {  	[dreg:$0x0] =	wrdreg $0xFFFFFFFF;
	(pc) =	sbr.abs _section_cstart, $3  }
0xc0: {  	[dreg:$0x1] =	wrdreg $0xFFFFFFFF  }
0xc1: {  	_ =	task.clear_ibuf [dreg:s7], $0x2FFFF;
	_ =	strace $0x9FFFFFFF  }
0xc2: {  	(tm) =	ssettm $0x7FFFFFFF  }
0xc3: {  	_ =	shalt  }
tec
execute0_lowered:
.L_overlay_start_1:
0x0: {  	(tag) =	ssettag $0x1  }
0x1: {  	s0 =	rddreg [dreg:$0x0]  }
0x2: {  	s1 =	rddreg [dreg:$0x1]  }
0x3: {  	s3 =	srdreg.scid;
	s2 =	stileid.u32  }
0x4: {  	s11 =	simm.s32 $0x0;
	s4 =	sand.u32 $0x1, s3;
	s21 =	sshll.u32 s2, $0x1  }
0x5: {  	[smem:$0x7FF] =	sst s11;
	s6 =	sor.u32 s4, s21  }
0x6: {  	s22 =	sadd.s32 $0x60CA00, s0;
	s0 =	sadd.s32 $0xA00, s0;
	s8 =	smul.u32 $0xC0600, s6  }
0x7: {  	_ =	strace $0x80000047;
	s23 =	sshll.u32 s6, $0x8;
	s9 =	smul.u32 $0x180C0, s6  }
0x8: {  	[dreg:$0x3] =	wrdreg s22;
	s24 =	sadd.s32 s0, s23;
	s8 =	sshrl.u32 s8, $0x3  }
0x9: {  	[dreg:$0x4] =	wrdreg s24;
	s25 =	sadd.s32 s1, s9;
	s8 =	sadd.s32 s1, s8  }
0xa: {  	[dreg:$0x5] =	wrdreg s25;
	s26 =	sadd.s32 $0x1560, s8  }
0xb: {  	s30 =	sadd.s32 $0x2AC0, s8;
	[dreg:$0x6] =	wrdreg s26  }
0xc: {  	s5 =	ssub.s32 $0x2, s4;
	s31 =	sadd.s32 $0x4020, s8;
	[dreg:$0x7] =	wrdreg s30  }
0xd: {  	s7 =	sshrl.u32 s5, $0x1;
	s9 =	sadd.s32 $0x5580, s8;
	[dreg:$0x8] =	wrdreg s31  }
0xe: {  	s5 =	ssub.s32 s5, s7;
	s10 =	sadd.s32 $0x6AE0, s8;
	[dreg:$0x9] =	wrdreg s9  }
0xf: {  	s7 =	smul.u32 $0x802, s6;
	s12 =	sadd.s32 $0x8040, s8;
	[dreg:$0xa] =	wrdreg s10  }
0x10: {  	s6 =	sshllo.u32 s6, $0x1;
	s14 =	sadd.s32 $0x95A0, s8;
	[dreg:$0xb] =	wrdreg s12  }
0x11: {  	s13 =	smul.u32 $0x60300, s6;
	s15 =	sadd.s32 $0xAB00, s8;
	[dreg:$0xc] =	wrdreg s14  }
0x12: {  	s16 =	smul.u32 $0x401, s6;
	[dreg:$0xd] =	wrdreg s15  }
0x13: {  	s10 =	sshll.u32 s6, $0x7;
	s6 =	smul.u32 $0xC060, s6;
	s30 =	smax.u32 s5, $0x1  }
0x14: {  	s9 =	sshrl.u32 s13, $0x3;
	s0 =	sadd.s32 s0, s10;
	[dreg:$0x19] =	wrdreg s30  }
0x15: {  	s17 =	sadd.s32 s1, s9;
	[dreg:$0xe] =	wrdreg s0;
	s1 =	sadd.s32 s1, s6  }
0x16: {  	s19 =	sadd.s32 $0x1560, s17;
	[dreg:$0xf] =	wrdreg s1  }
0x17: {  	s21 =	sadd.s32 $0x2AC0, s17;
	[dreg:$0x10] =	wrdreg s19  }
0x18: {  	s22 =	sadd.s32 $0x4020, s17;
	[dreg:$0x11] =	wrdreg s21  }
0x19: {  	s23 =	sadd.s32 $0x5580, s17;
	[dreg:$0x12] =	wrdreg s22  }
0x1a: {  	s24 =	sadd.s32 $0x6AE0, s17;
	[dreg:$0x13] =	wrdreg s23  }
0x1b: {  	v3 =	vimm.s32 $0xECA86420;
	v2 =	vimm.s32 $0x0;
	s18 =	smul.u32 $0x1004, s2;
	s25 =	sadd.s32 $0x8040, s17;
	[dreg:$0x15] =	wrdreg s24  }
0x1c: {  	vm0 =	vcmask $0xB08;
	vm1 =	vcmask $0x1310;
	vm2 =	vcmask $0x1B18;
	s20 =	smul.u32 $0x802, s4;
	s26 =	sadd.s32 $0x95A0, s17;
	[dreg:$0x16] =	wrdreg s25  }
0x1d: {  	vm3 =	vcmask $0x300;
	vm4 =	vcmask $0x2320;
	vm5 =	vcmask $0x2B28;
	s0 =	sadd.s32 $0xAB00, s17;
	[dreg:$0x17] =	wrdreg s26  }
0x1e: {  	vm6 =	vcmask $0x3330;
	v4 =	vunpack.c.l.s4.s8 v3;
	v3 =	vlaneseq.u32;
	s1 =	sadd.s32 s20, s18;
	[dreg:$0x18] =	wrdreg s0  }
0x1f: {  	s28 =	simm.s32 $0x2;
	vm7 =	vcmask $0x3B38;
	vm8 =	vmmov $0xff;
	v5 =	vmul.u32 $0x2, v3;
	[dreg:$0x14] =	wrdreg s1;
	s31 =	sadd.s32 $0x401, s1  }
0x20: {  	s29 =	simm.s32 $0x400;
	v4 =	vunpack.c.0.s8.s32 v4;
	v0 =	vmov s7;
	v1 =	vmov s16;
	s1 =	simm.s32 $0x0;
	[dreg:$0x1a] =	wrdreg s31  }
.LBB2_1:
0x21: {  	[dreg:$0x1b] =	wrdreg s1  }
0x22: {  	s0 =	rddreg [dreg:$0x4]  }
0x23: {  	[tilespmem:s11], [sflag:$0x2] =	stream.linear.gather [hbm4b:s0+s11], $0x400, $0x38;
	[tilespmem:$0xB140] =	vst v63  }
0x24: {  	_ =	swait.ge [sflag:s28], $0x400  }
0x25: {  	s1 =	simm.s32 $0x40000000;
	[sflag:s28] =	ssyncset.done $0x0  }
0x26: {  	s5 =	simm.s32 $0x0;
	s4 =	simm.s32 $0x0;
	[sflag:s28] =	ssyncadd.s32 $0xFFFFFC00  }
.LBB2_2:
0x27: {  	s12 =	sadd.s32 s5, s1  }
0x28: {  	s14 =	simm.s32 $0x0;
	s12 =	sshra.s32 s12, $0x1  }
0x29: {  	v8 =	vld [tilespmem:s14+$0x0];
	v6 =	vmov s12  }
0x2a: {  	s13 =	simm.s32 $0x40;
	v7 =	vbroadcast v6, $0x0;
	v6 =	vimm.s32 $0x0  }
.LBB2_3:
0x2b: {  	p0 =	sne.s32 s13, $0xFC0  }
.Ltmp0:
0x2c: {  	_ = 	snop;
	(pc) =	sbr.rel @p0 .LBB2_3-.Ltmp0, $4  }
0x2d: {  	_ = 	snop  }
0x2e: {  	s14 =	sshra.s32 s13, $0x2;
	s13 =	sadd.s32 $0x40, s13;
	vm9 =	vlt.f32 v8, v7  }
0x2f: {  	v8 =	vld [tilespmem:s14+$0x0];
	v9 =	vsel vm9, $0x1, v2  }
0x30: {  	v6 =	vadd.s32 v9, v6  }
0x31: {  	_ =	sdelay $0x2  }
0x32: {  	vm9 =	vlt.f32 v8, v7  }
0x33: {  	v7 =	vsel vm9, $0x1, v2  }
0x34: {  	v6 =	vadd.s32 v7, v6  }
0x35: {  	(xrf0) =	vadd.scan.msk.s32 $0xffff, v6;
	_ =	sdelay $0x5  }
0x36: {  	v6, _, _ =	vpop (xrf0)  }
0x37: {  	(v2sf) =	vpush v6, $0xF;
	_ =	sdelay $0xb  }
0x38: {  	s4 =	sadd.s32 $0x1, s4  }
0x39: {  	p1 =	sne.s32 s4, $0x1E  }
.Ltmp1:
0x3a: {  	_ = 	snop;
	(pc) =	sbr.rel @p1 .LBB2_2-.Ltmp1, $4  }
0x3b: {  	s13 =	spop (v2sf)  }
0x3c: {  	p0 =	sgt.s32 s13, $0x1FF;
	s13 =	smov.u32 s12  }
0x3d: {  	s13 =	smov.u32 @p0 s5  }
0x3e: {  	s1 =	smov.u32 @p0 s12;
	s5 =	smov.u32 s13  }
0x3f: {  	s4 =	simm.s32 $0x0  }
0x40: {  	v6 =	vmov s13;
	v8 =	vld [tilespmem:s4+$0x0]  }
0x41: {  	v7 =	vimm.s32 $0x0;
	s1 =	simm.s32 $0x40;
	v6 =	vbroadcast v6, $0x0  }
.LBB2_6:
0x42: {  	p0 =	sne.s32 s1, $0xFC0  }
.Ltmp2:
0x43: {  	_ = 	snop;
	(pc) =	sbr.rel @p0 .LBB2_6-.Ltmp2, $4  }
0x44: {  	_ = 	snop  }
0x45: {  	s4 =	sshra.s32 s1, $0x2;
	s1 =	sadd.s32 $0x40, s1;
	vm9 =	vlt.f32 v8, v6  }
0x46: {  	v8 =	vld [tilespmem:s4+$0x0];
	v9 =	vsel vm9, $0x1, v2  }
0x47: {  	v7 =	vadd.s32 v9, v7  }
0x48: {  	_ =	sdelay $0x2  }
0x49: {  	vm9 =	vlt.f32 v8, v6  }
0x4a: {  	v8 =	vsel vm9, $0x1, v2  }
0x4b: {  	v7 =	vadd.s32 v8, v7  }
0x4c: {  	(xrf0) =	vadd.scan.msk.s32 $0xffff, v7;
	_ =	sdelay $0x5  }
0x4d: {  	v7, _, _ =	vpop (xrf0)  }
0x4e: {  	(v2sf) =	vpush v7, $0xF;
	_ =	sdelay $0x1  }
0x4f: {  	[tilespmem:$0x400] =	vst v0;
	s1 =	simm.s32 $0x0  }
0x50: {  	v8 =	vld [tilespmem:s1+$0x0];
	_ =	sdelay $0x4  }
0x51: {  	vm9 =	veq.f32 v8, v6  }
0x52: {  	v7 =	vsel vm9, $0x1, v2  }
0x53: {  	(xrf0) =	vadd.scan.msk.s32 $0xffff, v7;
	_ =	sdelay $0x4  }
0x54: {  	s4 =	simm.s32 $0x0;
	v7 =	vsel vm9, $0xFFFFFFFF, v2;
	s15 =	spop (v2sf)  }
0x55: {  	v9 =	vadd.s32 s4, v7;
	v10, _, _ =	vpop (xrf0);
	s1 =	ssub.s32 $0x200, s15  }
0x56: {  	v9 =	vadd.s32 v10, v9;
	v7 =	vmov s1  }
0x57: {  	vm10 =	vlt.s32 v9, v7  }
0x58: {  	vm11 =	vlt.f32 v8, v6;
	vm9 =	vmand vm9, vm10  }
0x59: {  	vm9 =	vmor vm11, vm9  }
0x5a: {  	v8 =	vsel vm9, $0x1, v2  }
0x5b: {  	(xrf0) =	vadd.scan.msk.s32 $0xffff, v8;
	_ =	sdelay $0x4  }
0x5c: {  	v8 =	vsel vm9, $0xFFFFFFFF, v2  }
0x5d: {  	v8 =	vadd.s32 s4, v8;
	v9, _, _ =	vpop (xrf0)  }
0x5e: {  	(v2sf) =	vpush v10, $0xF;
	v11 =	vadd.s32 v9, v8  }
0x5f: {  	(v2sf) =	vpush v9, $0xF;
	v8 =	vadd.s32 $0x1, v11  }
0x60: {  	(v2sf) =	vpush v8, $0xD  }
0x61: {  	(v2sf) =	vpush v8, $0x8  }
0x62: {  	(v2sf) =	vpush v8, $0xC;
	_ =	sdelay $0x1  }
0x63: {  	(v2sf) =	vpush v8, $0x0;
	_ =	sdelay $0x2  }
0x64: {  	(v2sf) =	vpush v8, $0x2  }
0x65: {  	(v2sf) =	vpush v8, $0x9;
	_ =	sdelay $0x1  }
0x66: {  	(v2sf) =	vpush v8, $0xA  }
0x67: {  	(v2sf) =	vpush v8, $0x1  }
0x68: {  	(v2sf) =	vpush v8, $0x3  }
0x69: {  	s13 =	spop (v2sf);
	(v2sf) =	vpush v8, $0x7  }
0x6a: {  	(v2sf) =	vpush v8, $0xE;
	s1 =	spop (v2sf)  }
0x6b: {  	(v2sf) =	vpush v8, $0x4;
	s14 =	spop (v2sf)  }
0x6c: {  	(v2sf) =	vpush v8, $0xF;
	s18 =	smulhi.u32 $0x8FB823EF, s14;
	s15 =	spop (v2sf)  }
0x6d: {  	(v2sf) =	vpush v8, $0x5;
	s16 =	spop (v2sf);
	s17 =	smulhi.u32 $0x8FB823EF, s15  }
0x6e: {  	s20 =	sshra.s32 s15, $0x1F;
	s5 =	smulhi.u32 $0x8FB823EF, s16  }
0x6f: {  	s12 =	simm.s32 $0x40;
	(v2sf) =	vpush v8, $0xB;
	s19 =	spop (v2sf);
	s20 =	smul.u32 $0x8FB823EF, s20  }
0x70: {  	s13 =	sadd.s32 $0x0, s13;
	s23 =	sshra.s32 s16, $0x1F;
	s21 =	smulhi.u32 $0x8FB823EF, s19  }
0x71: {  	s25 =	sshra.s32 s14, $0x1F;
	s22 =	sshra.s32 s19, $0x1F;
	s26 =	smul.u32 $0x8FB823EF, s23  }
0x72: {  	s14 =	ssub.s32 s18, s14;
	s24 =	spop (v2sf);
	s22 =	smul.u32 $0x8FB823EF, s22  }
0x73: {  	s3 =	ssub.s32 s17, s15;
	s7 =	smulhi.u32 $0x8FB823EF, s24;
	s30 =	spop (v2sf)  }
0x74: {  	s6 =	sshra.s32 s24, $0x1F;
	s8 =	ssub.s32 s5, s16;
	s0 =	smulhi.u32 $0x8FB823EF, s30  }
0x75: {  	(v2sf) =	vpush v8, $0x6;
	s20 =	sadd.s32 s20, s3;
	s4 =	spop (v2sf);
	s6 =	smul.u32 $0x8FB823EF, s6  }
0x76: {  	s21 =	ssub.s32 s21, s19;
	v9 =	vmov s20;
	s20 =	rddreg [dreg:$0x14];
	s2 =	spop (v2sf)  }
0x77: {  	s5 =	sadd.s32 s22, s21;
	s22 =	smul.u32 $0x8FB823EF, s25;
	s9 =	spop (v2sf)  }
0x78: {  	s31 =	sshra.s32 s30, $0x1F;
	s15 =	smulhi.u32 $0x8FB823EF, s4;
	s17 =	spop (v2sf)  }
0x79: {  	s8 =	sadd.s32 s26, s8;
	s11 =	smul.u32 $0x8FB823EF, s31;
	s26 =	spop (v2sf)  }
0x7a: {  	s16 =	smulhi.u32 $0x8FB823EF, s2;
	s10 =	sshra.s32 s2, $0x1F;
	s21 =	spop (v2sf)  }
0x7b: {  	s7 =	ssub.s32 s7, s24;
	s10 =	smul.u32 $0x8FB823EF, s10;
	s24 =	spop (v2sf)  }
0x7c: {  	s19 =	ssub.s32 s0, s30;
	s30 =	spop (v2sf);
	s3 =	smulhi.u32 $0x8FB823EF, s24  }
0x7d: {  	s23 =	ssub.s32 s16, s2;
	s31 =	smulhi.u32 $0x8FB823EF, s30;
	s16 =	sshra.s32 s30, $0x1F  }
0x7e: {  	s19 =	sadd.s32 s11, s19;
	s11 =	spop (v2sf);
	s0 =	smul.u32 $0x8FB823EF, s16  }
0x7f: {  	s6 =	sadd.s32 s6, s7;
	s25 =	smulhi.u32 $0x8FB823EF, s11;
	s16 =	ssub.s32 s3, s24  }
0x80: {  	s24 =	sshra.s32 s24, $0x1F;
	s18 =	ssub.s32 s31, s30;
	s30 =	smulhi.u32 $0x8FB823EF, s26  }
0x81: {  	s2 =	sadd.s32 s22, s14;
	s22 =	sshra.s32 s11, $0x1F;
	s24 =	smul.u32 $0x8FB823EF, s24  }
0x82: {  	s31 =	sshra.s32 s26, $0x1F;
	s18 =	sadd.s32 s0, s18;
	s0 =	smul.u32 $0x8FB823EF, s22  }
0x83: {  	s14 =	sadd.s32 $0x0, s1;
	s7 =	ssub.s32 s25, s11;
	s11 =	smul.u32 $0x8FB823EF, s31  }
0x84: {  	s10 =	sadd.s32 s10, s23;
	s3 =	spop (v2sf);
	s31 =	smulhi.u32 $0x8FB823EF, s21  }
0x85: {  	s25 =	ssub.s32 s30, s26;
	s22 =	sadd.s32 s24, s16;
	s30 =	smulhi.u32 $0x8FB823EF, s3  }
0x86: {  	s16 =	sshra.s32 s3, $0x1F;
	s1 =	sadd.s32 s0, s7;
	s0 =	smulhi.u32 $0x8FB823EF, s9  }
0x87: {  	v12 =	vmov s5;
	v10 =	vsel vm0, s19, v9;
	v9 =	vmov s8;
	s24 =	sadd.s32 s11, s25;
	s16 =	smul.u32 $0x8FB823EF, s16;
	s25 =	sshra.s32 s9, $0x1F  }
0x88: {  	vm10 =	vlt.u32 v11, $0x7FFFFFFF;
	v11 =	vnsel vm3, $0x0, v12;
	v9 =	vsel vm0, s2, v9;
	s7 =	ssub.s32 s30, s3;
	s3 =	ssub.s32 s31, s21;
	s31 =	smul.u32 $0x8FB823EF, s25  }
0x89: {  	s19 =	ssub.s32 s15, s4;
	v12 =	vsel vm0, s10, v11;
	s21 =	sshra.s32 s21, $0x1F;
	v11 =	vsel vm1, s24, v9;
	s24 =	smulhi.u32 $0x8FB823EF, s17  }
0x8a: {  	s15 =	smov.u32 s20;
	s30 =	sshra.s32 s4, $0x1F;
	s26 =	smul.u32 $0x8FB823EF, s21  }
0x8b: {  	v13 =	vsel vm10, $0x1, v2;
	v14 =	vshra.s32 v8, $0x1F;
	s11 =	ssub.s32 s0, s9;
	s21 =	sshra.s32 s17, $0x1F;
	s23 =	smul.u32 $0x8FB823EF, s30  }
0x8c: {  	v12 =	vsel vm1, s6, v12;
	v9 =	vadd.s32 v13, v14;
	s4 =	sadd.s32 s16, s7;
	s25 =	sadd.s32 s31, s11;
	s5 =	sadd.s32 s26, s3  }
.LBB2_8:
0x8d: {  	p0 =	sne.s32 s12, $0xFC0  }
0x8e: {  	s2 =	sadd.s32 s23, s19;
	v12 =	vsel vm2, s25, v12;
	s15 =	sadd.s32 $0x10, s15;
	s6 =	smov.u32 s12  }
0x8f: {  	s12 =	sadd.s32 $0x40, s12;
	v10 =	vsel vm1, s2, v10;
	v12 =	vsel vm4, s5, v12;
	s2 =	ssub.s32 s24, s17;
	s5 =	smul.u32 $0x8FB823EF, s21  }
0x90: {  	v11 =	vsel vm2, s22, v11;
	v10 =	vsel vm2, s1, v10;
	v12 =	vsel vm5, s18, v12  }
0x91: {  	v10 =	vcombine.low v10, v11;
	v11 =	vsel vm6, s4, v12;
	s1 =	sadd.s32 s5, s2  }
0x92: {  	v11 =	vsel vm7, s1, v11  }
0x93: {  	v10 =	vperm.xlane v10, v4;
	v11 =	vperm.xlane v11, v5;
	_ =	sdelay $0x1  }
0x94: {  	v10 =	vsel vm8, v11, v10  }
0x95: {  	v10 =	vadd.s32 v8, v10  }
0x96: {  	v11 =	vshrl.u32 v10, $0x1F;
	v10 =	vshra.s32 v10, $0x5  }
0x97: {  	v10 =	vadd.s32 v11, v10  }
0x98: {  	v11 =	vmul.u32 $0xFFFFFFC7, v10;
	_ =	sdelay $0x1  }
0x99: {  	vm10 =	vne.s32 v9, $0x1;
	v8 =	vadd.s32 v8, v11  }
0x9a: {  	vm11 =	vne.s32 v8, $0x0;
	vm12 =	vlt.s32 v8, $0x0;
	v9 =	vadd.s32 $0x39, v8  }
0x9b: {  	vm10 =	vmand vm11, vm10;
	v8 =	vsel vm12, v9, v8  }
0x9c: {  	v9 =	vsel vm10, $0xFFFFFFFF, v2  }
0x9d: {  	v9 =	vadd.s32 v9, v10  }
0x9e: {  	v10 =	vand.u32 $0xFFFFFFF8, v8;
	v9 =	vshll.u32 v9, $0x6  }
0x9f: {  	v8 =	vand.u32 $0x7, v8;
	v9 =	vadd.s32 v10, v9  }
0xa0: {  	v8 =	vor.u32 v8, v9;
	_ =	sdelay $0x3  }
0xa1: {  	s1 =	sshra.s32 s6, $0x2;
	v9 =	vadd.s32 s20, v3;
	s20 =	smov.u32 s15  }
0xa2: {  	[tilespmem:v8+s29+$0x0] =	vst.idx.msk vm9, v9  }
0xa3: {  	v8 =	vld [tilespmem:s1+$0x0];
	_ =	sdelay $0x4  }
0xa4: {  	vm9 =	veq.f32 v8, v6  }
0xa5: {  	v9 =	vsel vm9, $0x1, v2  }
0xa6: {  	(xrf0) =	vadd.scan.msk.s32 $0xffff, v9;
	_ =	sdelay $0x3  }
0xa7: {  	v9 =	vsel vm9, $0xFFFFFFFF, v2  }
0xa8: {  	v9 =	vadd.s32 s13, v9  }
0xa9: {  	v10, _, _ =	vpop (xrf0)  }
0xaa: {  	v9 =	vadd.s32 v10, v9;
	(v2sf) =	vpush v10, $0xF  }
0xab: {  	vm10 =	vlt.f32 v8, v6;
	vm11 =	vlt.s32 v9, v7  }
0xac: {  	vm9 =	vmand vm9, vm11  }
0xad: {  	vm9 =	vmor vm10, vm9  }
0xae: {  	v8 =	vsel vm9, $0x1, v2  }
0xaf: {  	(xrf0) =	vadd.scan.msk.s32 $0xffff, v8;
	_ =	sdelay $0x3  }
0xb0: {  	v8 =	vsel vm9, $0xFFFFFFFF, v2  }
0xb1: {  	v8 =	vadd.s32 s14, v8  }
0xb2: {  	v9, _, _ =	vpop (xrf0)  }
0xb3: {  	v10 =	vadd.s32 v9, v8;
	(v2sf) =	vpush v9, $0xF  }
0xb4: {  	v8 =	vadd.s32 $0x1, v10;
	vm10 =	vlt.u32 v10, $0x7FFFFFFF  }
0xb5: {  	v9 =	vsel vm10, $0x1, v2;
	v10 =	vshra.s32 v8, $0x1F;
	(v2sf) =	vpush v8, $0xD  }
0xb6: {  	v9 =	vadd.s32 v9, v10;
	(v2sf) =	vpush v8, $0x8;
	s1 =	spop (v2sf)  }
0xb7: {  	s13 =	sadd.s32 s13, s1;
	(v2sf) =	vpush v8, $0xC  }
0xb8: {  	(v2sf) =	vpush v8, $0x0  }
0xb9: {  	(v2sf) =	vpush v8, $0x2;
	_ =	sdelay $0x2  }
0xba: {  	(v2sf) =	vpush v8, $0x9;
	_ =	sdelay $0x1  }
0xbb: {  	(v2sf) =	vpush v8, $0xA  }
0xbc: {  	(v2sf) =	vpush v8, $0x1;
	_ =	sdelay $0x1  }
0xbd: {  	(v2sf) =	vpush v8, $0x3  }
0xbe: {  	(v2sf) =	vpush v8, $0x7;
	s1 =	spop (v2sf)  }
0xbf: {  	s14 =	sadd.s32 s14, s1;
	(v2sf) =	vpush v8, $0xE  }
0xc0: {  	s18 =	spop (v2sf)  }
0xc1: {  	s22 =	smulhi.u32 $0x8FB823EF, s18;
	s2 =	spop (v2sf)  }
0xc2: {  	(v2sf) =	vpush v8, $0x4;
	s17 =	sshra.s32 s18, $0x1F;
	s4 =	smulhi.u32 $0x8FB823EF, s2  }
0xc3: {  	s1 =	spop (v2sf);
	s24 =	smul.u32 $0x8FB823EF, s17  }
0xc4: {  	s6 =	sshra.s32 s2, $0x1F;
	s7 =	smulhi.u32 $0x8FB823EF, s1  }
0xc5: {  	s8 =	sshra.s32 s1, $0x1F;
	(v2sf) =	vpush v8, $0xF;
	s9 =	spop (v2sf);
	s6 =	smul.u32 $0x8FB823EF, s6  }
0xc6: {  	s10 =	smulhi.u32 $0x8FB823EF, s9;
	s5 =	sshra.s32 s9, $0x1F;
	s16 =	spop (v2sf)  }
0xc7: {  	s19 =	smul.u32 $0x8FB823EF, s5;
	s5 =	sshra.s32 s16, $0x1F;
	(v2sf) =	vpush v8, $0x5  }
0xc8: {  	s1 =	ssub.s32 s7, s1;
	s7 =	ssub.s32 s10, s9;
	s9 =	smulhi.u32 $0x8FB823EF, s16  }
0xc9: {  	s8 =	smul.u32 $0x8FB823EF, s8;
	s7 =	sadd.s32 s19, s7;
	s10 =	spop (v2sf)  }
0xca: {  	s2 =	ssub.s32 s4, s2;
	s17 =	sshra.s32 s10, $0x1F;
	v10 =	vmov s7;
	s7 =	ssub.s32 s9, s16;
	(v2sf) =	vpush v8, $0xB  }
0xcb: {  	s1 =	sadd.s32 s8, s1;
	s8 =	smulhi.u32 $0x8FB823EF, s10;
	v11 =	vnsel vm3, $0x0, v10;
	s9 =	spop (v2sf)  }
0xcc: {  	s2 =	sadd.s32 s6, s2;
	s16 =	smulhi.u32 $0x8FB823EF, s9;
	s25 =	spop (v2sf);
	(v2sf) =	vpush v8, $0x6  }
0xcd: {  	s8 =	ssub.s32 s8, s10;
	s4 =	sshra.s32 s9, $0x1F;
	s10 =	smulhi.u32 $0x8FB823EF, s25  }
0xce: {  	s19 =	ssub.s32 s16, s9;
	s9 =	sshra.s32 s25, $0x1F;
	s16 =	spop (v2sf)  }
0xcf: {  	s26 =	smul.u32 $0x8FB823EF, s17;
	s23 =	sshra.s32 s16, $0x1F;
	s17 =	spop (v2sf)  }
0xd0: {  	s11 =	smulhi.u32 $0x8FB823EF, s16;
	s21 =	sshra.s32 s17, $0x1F;
	s30 =	spop (v2sf)  }
0xd1: {  	s8 =	sadd.s32 s26, s8;
	s9 =	smul.u32 $0x8FB823EF, s9;
	s3 =	sshra.s32 s30, $0x1F  }
0xd2: {  	s5 =	smul.u32 $0x8FB823EF, s5;
	s10 =	ssub.s32 s10, s25;
	s25 =	spop (v2sf)  }
0xd3: {  	s26 =	smulhi.u32 $0x8FB823EF, s30;
	s11 =	ssub.s32 s11, s16;
	s16 =	sshra.s32 s25, $0x1F  }
0xd4: {  	v10 =	vmov s2;
	s2 =	ssub.s32 s22, s18;
	s6 =	smulhi.u32 $0x8FB823EF, s25;
	s31 =	spop (v2sf)  }
0xd5: {  	s26 =	ssub.s32 s26, s30;
	s30 =	smulhi.u32 $0x8FB823EF, s31;
	s0 =	sshra.s32 s31, $0x1F  }
0xd6: {  	s7 =	sadd.s32 s5, s7;
	v10 =	vsel vm0, s8, v10;
	s8 =	spop (v2sf);
	s0 =	smul.u32 $0x8FB823EF, s0  }
0xd7: {  	s22 =	ssub.s32 s30, s31;
	s18 =	smulhi.u32 $0x8FB823EF, s8;
	s30 =	sshra.s32 s8, $0x1F  }
0xd8: {  	s2 =	sadd.s32 s24, s2;
	s5 =	smul.u32 $0x8FB823EF, s30;
	s22 =	sadd.s32 s0, s22  }
0xd9: {  	s0 =	smul.u32 $0x8FB823EF, s16;
	s8 =	ssub.s32 s18, s8;
	s24 =	spop (v2sf)  }
0xda: {  	s30 =	smulhi.u32 $0x8FB823EF, s24;
	s31 =	sshra.s32 s24, $0x1F;
	s18 =	sadd.s32 s5, s8  }
0xdb: {  	s6 =	ssub.s32 s6, s25;
	s5 =	smul.u32 $0x8FB823EF, s31;
	s8 =	spop (v2sf)  }
0xdc: {  	s24 =	ssub.s32 s30, s24;
	s25 =	smulhi.u32 $0x8FB823EF, s8;
	s30 =	sshra.s32 s8, $0x1F  }
0xdd: {  	s30 =	smul.u32 $0x8FB823EF, s30  }
.Ltmp3:
0xde: {  	(pc) =	sbr.rel @p0 .LBB2_8-.Ltmp3, $4  }
0xdf: {  	s3 =	smul.u32 $0x8FB823EF, s3;
	s8 =	ssub.s32 s25, s8  }
0xe0: {  	v12 =	vmov s1;
	s1 =	sadd.s32 s5, s24;
	s5 =	sadd.s32 s9, s10;
	s9 =	smul.u32 $0x8FB823EF, s23  }
0xe1: {  	v12 =	vsel vm0, s2, v12;
	s2 =	sadd.s32 s3, s26;
	s23 =	smul.u32 $0x8FB823EF, s4;
	v13 =	vsel vm0, s5, v11;
	s5 =	sadd.s32 s0, s6  }
0xe2: {  	s24 =	smulhi.u32 $0x8FB823EF, s17;
	v11 =	vsel vm1, s2, v12;
	v12 =	vsel vm1, s7, v13;
	s25 =	sadd.s32 s9, s11;
	s4 =	sadd.s32 s30, s8  }
0xe3: {  	s0 =	sadd.s32 s23, s19;
	v6 =	vsel vm2, s25, v12  }
0xe4: {  	s6 =	smul.u32 $0x8FB823EF, s21;
	v7 =	vsel vm1, s0, v10;
	v6 =	vsel vm4, s5, v6  }
0xe5: {  	v62 =	vsel vm2, s22, v11;
	s2 =	ssub.s32 s24, s17;
	v7 =	vsel vm2, s1, v7;
	v6 =	vsel vm5, s18, v6  }
0xe6: {  	s0 =	sadd.s32 s6, s2;
	v6 =	vsel vm6, s4, v6;
	v7 =	vcombine.low v7, v62  }
0xe7: {  	v6 =	vsel vm7, s0, v6  }
0xe8: {  	v7 =	vperm.xlane v7, v4;
	v6 =	vperm.xlane v6, v5;
	_ =	sdelay $0x1  }
0xe9: {  	v6 =	vsel vm8, v6, v7  }
0xea: {  	v6 =	vadd.s32 v8, v6  }
0xeb: {  	v7 =	vshrl.u32 v6, $0x1F;
	v6 =	vshra.s32 v6, $0x5  }
0xec: {  	v6 =	vadd.s32 v7, v6  }
0xed: {  	v7 =	vmul.u32 $0xFFFFFFC7, v6;
	_ =	sdelay $0x1  }
0xee: {  	v7 =	vadd.s32 v8, v7  }
0xef: {  	vm10 =	vne.s32 v9, $0x1;
	vm11 =	vne.s32 v7, $0x0  }
0xf0: {  	vm10 =	vmand vm11, vm10  }
0xf1: {  	v8 =	vadd.s32 $0x39, v7;
	vm11 =	vlt.s32 v7, $0x0;
	v63 =	vsel vm10, $0xFFFFFFFF, v2  }
0xf2: {  	v7 =	vsel vm11, v8, v7;
	v6 =	vadd.s32 v63, v6  }
0xf3: {  	v8 =	vand.u32 $0xFFFFFFF8, v7;
	v6 =	vshll.u32 v6, $0x6  }
0xf4: {  	v7 =	vand.u32 $0x7, v7;
	v6 =	vadd.s32 v8, v6  }
0xf5: {  	v6 =	vor.u32 v7, v6;
	_ =	sdelay $0x3  }
0xf6: {  	s7 =	rddreg [dreg:$0x3];
	v7 =	vadd.s32 s20, v3  }
0xf7: {  	s8 =	simm.s32 $0x39;
	s3 =	simm.s32 $0x640;
	s9 =	simm.s32 $0x1;
	[tilespmem:v6+s29+$0x0] =	vst.idx.msk vm9, v7  }
0xf8: {  	[tilespmem:s3], [sflag:$0x1] =	stream.indirect.gather [hbm4b:s7+s8], $0x300, s29, s8, $0xb8;
	[tilespmem:$0xB140] =	vst v63  }
0xf9: {  	_ =	swait.ge [sflag:s9], $0xAB00  }
0xfa: {  	[sflag:s9] =	ssyncset.done $0x0  }
0xfb: {  	s12 =	simm.s32 $0x0;
	s10 =	rddreg [dreg:$0x5];
	[sflag:s9] =	ssyncadd.s32 $0xFFFF5500  }
0xfc: {  	[hbm4b:s10+s12] =	stream.linear.scatter [tilespmem:s3], [sflag:$0x2], $0xAB00, $0x38;
	[tilespmem:$0xB140] =	vst v63  }
0xfd: {  	_ =	swait.ge [sflag:s28], $0xAB00  }
0xfe: {  	[sflag:s28] =	ssyncset.done $0x0  }
0xff: {  	s11 =	simm.s32 $0x440;
	[sflag:s28] =	ssyncadd.s32 $0xFFFF5500  }
0x100: {  	[tilespmem:s3], [sflag:$0x1] =	stream.indirect.gather [hbm4b:s7+s8], $0x300, s11, s8, $0xb8;
	[tilespmem:$0xB140] =	vst v63  }
0x101: {  	_ =	swait.ge [sflag:s9], $0xAB00  }
0x102: {  	[sflag:s9] =	ssyncset.done $0x0  }
0x103: {  	s13 =	rddreg [dreg:$0x6];
	[sflag:s9] =	ssyncadd.s32 $0xFFFF5500  }
0x104: {  	[hbm4b:s13+s12] =	stream.linear.scatter [tilespmem:s3], [sflag:$0x2], $0xAB00, $0x38;
	[tilespmem:$0xB140] =	vst v63  }
0x105: {  	_ =	swait.ge [sflag:s28], $0xAB00  }
0x106: {  	[sflag:s28] =	ssyncset.done $0x0  }
0x107: {  	s14 =	simm.s32 $0x480;
	[sflag:s28] =	ssyncadd.s32 $0xFFFF5500  }
0x108: {  	[tilespmem:s3], [sflag:$0x1] =	stream.indirect.gather [hbm4b:s7+s8], $0x300, s14, s8, $0xb8;
	[tilespmem:$0xB140] =	vst v63  }
0x109: {  	_ =	swait.ge [sflag:s9], $0xAB00  }
0x10a: {  	[sflag:s9] =	ssyncset.done $0x0  }
0x10b: {  	s15 =	rddreg [dreg:$0x7];
	[sflag:s9] =	ssyncadd.s32 $0xFFFF5500  }
0x10c: {  	[hbm4b:s15+s12] =	stream.linear.scatter [tilespmem:s3], [sflag:$0x2], $0xAB00, $0x38;
	[tilespmem:$0xB140] =	vst v63  }
0x10d: {  	_ =	swait.ge [sflag:s28], $0xAB00  }
0x10e: {  	[sflag:s28] =	ssyncset.done $0x0  }
0x10f: {  	s16 =	simm.s32 $0x4C0;
	[sflag:s28] =	ssyncadd.s32 $0xFFFF5500  }
0x110: {  	[tilespmem:s3], [sflag:$0x1] =	stream.indirect.gather [hbm4b:s7+s8], $0x300, s16, s8, $0xb8;
	[tilespmem:$0xB140] =	vst v63  }
0x111: {  	_ =	swait.ge [sflag:s9], $0xAB00  }
0x112: {  	[sflag:s9] =	ssyncset.done $0x0  }
0x113: {  	s17 =	rddreg [dreg:$0x8];
	[sflag:s9] =	ssyncadd.s32 $0xFFFF5500  }
0x114: {  	[hbm4b:s17+s12] =	stream.linear.scatter [tilespmem:s3], [sflag:$0x2], $0xAB00, $0x38;
	[tilespmem:$0xB140] =	vst v63  }
0x115: {  	_ =	swait.ge [sflag:s28], $0xAB00  }
0x116: {  	[sflag:s28] =	ssyncset.done $0x0  }
0x117: {  	s18 =	simm.s32 $0x500;
	[sflag:s28] =	ssyncadd.s32 $0xFFFF5500  }
0x118: {  	[tilespmem:s3], [sflag:$0x1] =	stream.indirect.gather [hbm4b:s7+s8], $0x300, s18, s8, $0xb8;
	[tilespmem:$0xB140] =	vst v63  }
0x119: {  	_ =	swait.ge [sflag:s9], $0xAB00  }
0x11a: {  	[sflag:s9] =	ssyncset.done $0x0  }
0x11b: {  	s19 =	rddreg [dreg:$0x9];
	[sflag:s9] =	ssyncadd.s32 $0xFFFF5500  }
0x11c: {  	[hbm4b:s19+s12] =	stream.linear.scatter [tilespmem:s3], [sflag:$0x2], $0xAB00, $0x38;
	[tilespmem:$0xB140] =	vst v63  }
0x11d: {  	_ =	swait.ge [sflag:s28], $0xAB00  }
0x11e: {  	[sflag:s28] =	ssyncset.done $0x0  }
0x11f: {  	s20 =	simm.s32 $0x540;
	[sflag:s28] =	ssyncadd.s32 $0xFFFF5500  }
0x120: {  	[tilespmem:s3], [sflag:$0x1] =	stream.indirect.gather [hbm4b:s7+s8], $0x300, s20, s8, $0xb8;
	[tilespmem:$0xB140] =	vst v63  }
0x121: {  	_ =	swait.ge [sflag:s9], $0xAB00  }
0x122: {  	[sflag:s9] =	ssyncset.done $0x0  }
0x123: {  	s21 =	rddreg [dreg:$0xa];
	[sflag:s9] =	ssyncadd.s32 $0xFFFF5500  }
0x124: {  	[hbm4b:s21+s12] =	stream.linear.scatter [tilespmem:s3], [sflag:$0x2], $0xAB00, $0x38;
	[tilespmem:$0xB140] =	vst v63  }
0x125: {  	_ =	swait.ge [sflag:s28], $0xAB00  }
0x126: {  	[sflag:s28] =	ssyncset.done $0x0  }
0x127: {  	s22 =	simm.s32 $0x580;
	[sflag:s28] =	ssyncadd.s32 $0xFFFF5500  }
0x128: {  	[tilespmem:s3], [sflag:$0x1] =	stream.indirect.gather [hbm4b:s7+s8], $0x300, s22, s8, $0xb8;
	[tilespmem:$0xB140] =	vst v63  }
0x129: {  	_ =	swait.ge [sflag:s9], $0xAB00  }
0x12a: {  	[sflag:s9] =	ssyncset.done $0x0  }
0x12b: {  	s23 =	rddreg [dreg:$0xb];
	[sflag:s9] =	ssyncadd.s32 $0xFFFF5500  }
0x12c: {  	[hbm4b:s23+s12] =	stream.linear.scatter [tilespmem:s3], [sflag:$0x2], $0xAB00, $0x38;
	[tilespmem:$0xB140] =	vst v63  }
0x12d: {  	_ =	swait.ge [sflag:s28], $0xAB00  }
0x12e: {  	[sflag:s28] =	ssyncset.done $0x0  }
0x12f: {  	s24 =	simm.s32 $0x5C0;
	[sflag:s28] =	ssyncadd.s32 $0xFFFF5500  }
0x130: {  	[tilespmem:s3], [sflag:$0x1] =	stream.indirect.gather [hbm4b:s7+s8], $0x300, s24, s8, $0xb8;
	[tilespmem:$0xB140] =	vst v63  }
0x131: {  	_ =	swait.ge [sflag:s9], $0xAB00  }
0x132: {  	[sflag:s9] =	ssyncset.done $0x0  }
0x133: {  	s25 =	rddreg [dreg:$0xc];
	[sflag:s9] =	ssyncadd.s32 $0xFFFF5500  }
0x134: {  	[hbm4b:s25+s12] =	stream.linear.scatter [tilespmem:s3], [sflag:$0x2], $0xAB00, $0x38;
	[tilespmem:$0xB140] =	vst v63  }
0x135: {  	_ =	swait.ge [sflag:s28], $0xAB00  }
0x136: {  	[sflag:s28] =	ssyncset.done $0x0  }
0x137: {  	s26 =	simm.s32 $0x600;
	[sflag:s28] =	ssyncadd.s32 $0xFFFF5500  }
0x138: {  	[tilespmem:s3], [sflag:$0x1] =	stream.indirect.gather [hbm4b:s7+s8], $0x300, s26, s8, $0xb8;
	[tilespmem:$0xB140] =	vst v63  }
0x139: {  	_ =	swait.ge [sflag:s9], $0xAB00  }
0x13a: {  	[sflag:s9] =	ssyncset.done $0x0  }
0x13b: {  	s30 =	rddreg [dreg:$0xd];
	[sflag:s9] =	ssyncadd.s32 $0xFFFF5500  }
0x13c: {  	[hbm4b:s30+s12] =	stream.linear.scatter [tilespmem:s3], [sflag:$0x2], $0xAB00, $0x38;
	[tilespmem:$0xB140] =	vst v63  }
0x13d: {  	_ =	swait.ge [sflag:s28], $0xAB00  }
0x13e: {  	[sflag:s28] =	ssyncset.done $0x0  }
0x13f: {  	s31 =	rddreg [dreg:$0xe];
	[sflag:s28] =	ssyncadd.s32 $0xFFFF5500  }
0x140: {  	[tilespmem:s12], [sflag:$0x2] =	stream.linear.gather [hbm4b:s31+s12], $0x400, $0x38;
	[tilespmem:$0xB140] =	vst v63  }
0x141: {  	_ =	swait.ge [sflag:s28], $0x400  }
0x142: {  	[sflag:s28] =	ssyncset.done $0x0  }
0x143: {  	s1 =	simm.s32 $0x40000000;
	s4 =	simm.s32 $0x0;
	[sflag:s28] =	ssyncadd.s32 $0xFFFFFC00  }
.LBB2_10:
0x144: {  	s0 =	sadd.s32 s12, s1  }
0x145: {  	s31 =	simm.s32 $0x0;
	s5 =	sshra.s32 s0, $0x1  }
0x146: {  	v8 =	vld [tilespmem:s31+$0x0];
	v6 =	vmov s5  }
0x147: {  	s13 =	simm.s32 $0x40;
	v7 =	vbroadcast v6, $0x0;
	v6 =	vimm.s32 $0x0  }
.LBB2_11:
0x148: {  	p0 =	sne.s32 s13, $0xFC0  }
.Ltmp4:
0x149: {  	_ = 	snop;
	(pc) =	sbr.rel @p0 .LBB2_11-.Ltmp4, $4  }
0x14a: {  	_ = 	snop  }
0x14b: {  	s0 =	sshra.s32 s13, $0x2;
	s13 =	sadd.s32 $0x40, s13;
	vm9 =	vlt.f32 v8, v7  }
0x14c: {  	v8 =	vld [tilespmem:s0+$0x0];
	v9 =	vsel vm9, $0x1, v2  }
0x14d: {  	v6 =	vadd.s32 v9, v6  }
0x14e: {  	_ =	sdelay $0x2  }
0x14f: {  	vm9 =	vlt.f32 v8, v7  }
0x150: {  	v7 =	vsel vm9, $0x1, v2  }
0x151: {  	v6 =	vadd.s32 v7, v6  }
0x152: {  	(xrf0) =	vadd.scan.msk.s32 $0xffff, v6;
	_ =	sdelay $0x5  }
0x153: {  	v6, _, _ =	vpop (xrf0)  }
0x154: {  	(v2sf) =	vpush v6, $0xF;
	_ =	sdelay $0xb  }
0x155: {  	s4 =	sadd.s32 $0x1, s4  }
0x156: {  	p1 =	sne.s32 s4, $0x1E  }
.Ltmp5:
0x157: {  	_ = 	snop;
	(pc) =	sbr.rel @p1 .LBB2_10-.Ltmp5, $4  }
0x158: {  	s0 =	spop (v2sf)  }
0x159: {  	s13 =	smov.u32 s5;
	p0 =	sgt.s32 s0, $0x1FF  }
0x15a: {  	s13 =	smov.u32 @p0 s12  }
0x15b: {  	s1 =	smov.u32 @p0 s5;
	s12 =	smov.u32 s13  }
0x15c: {  	s0 =	simm.s32 $0x0  }
0x15d: {  	v6 =	vmov s13;
	v8 =	vld [tilespmem:s0+$0x0]  }
0x15e: {  	v7 =	vimm.s32 $0x0;
	s1 =	simm.s32 $0x40;
	v6 =	vbroadcast v6, $0x0  }
.LBB2_14:
0x15f: {  	p0 =	sne.s32 s1, $0xFC0  }
.Ltmp6:
0x160: {  	_ = 	snop;
	(pc) =	sbr.rel @p0 .LBB2_14-.Ltmp6, $4  }
0x161: {  	_ = 	snop  }
0x162: {  	s0 =	sshra.s32 s1, $0x2;
	s1 =	sadd.s32 $0x40, s1;
	vm9 =	vlt.f32 v8, v6  }
0x163: {  	v8 =	vld [tilespmem:s0+$0x0];
	v9 =	vsel vm9, $0x1, v2  }
0x164: {  	v7 =	vadd.s32 v9, v7  }
0x165: {  	_ =	sdelay $0x2  }
0x166: {  	vm9 =	vlt.f32 v8, v6  }
0x167: {  	v8 =	vsel vm9, $0x1, v2  }
0x168: {  	v7 =	vadd.s32 v8, v7  }
0x169: {  	(xrf0) =	vadd.scan.msk.s32 $0xffff, v7;
	_ =	sdelay $0x5  }
0x16a: {  	v7, _, _ =	vpop (xrf0)  }
0x16b: {  	(v2sf) =	vpush v7, $0xF;
	_ =	sdelay $0x1  }
0x16c: {  	[tilespmem:$0x400] =	vst v1;
	s0 =	simm.s32 $0x0  }
0x16d: {  	v8 =	vld [tilespmem:s0+$0x0];
	_ =	sdelay $0x4  }
0x16e: {  	vm9 =	veq.f32 v8, v6  }
0x16f: {  	v7 =	vsel vm9, $0x1, v2  }
0x170: {  	(xrf0) =	vadd.scan.msk.s32 $0xffff, v7;
	_ =	sdelay $0x4  }
0x171: {  	s1 =	simm.s32 $0x0;
	v7 =	vsel vm9, $0xFFFFFFFF, v2;
	s19 =	spop (v2sf)  }
0x172: {  	v9 =	vadd.s32 s1, v7;
	v10, _, _ =	vpop (xrf0);
	s0 =	ssub.s32 $0x200, s19  }
0x173: {  	v9 =	vadd.s32 v10, v9;
	v7 =	vmov s0  }
0x174: {  	vm10 =	vlt.s32 v9, v7  }
0x175: {  	vm11 =	vlt.f32 v8, v6;
	vm9 =	vmand vm9, vm10  }
0x176: {  	vm9 =	vmor vm11, vm9  }
0x177: {  	v8 =	vsel vm9, $0x1, v2  }
0x178: {  	(xrf0) =	vadd.scan.msk.s32 $0xffff, v8;
	_ =	sdelay $0x4  }
0x179: {  	v8 =	vsel vm9, $0xFFFFFFFF, v2  }
0x17a: {  	v8 =	vadd.s32 s1, v8;
	v9, _, _ =	vpop (xrf0)  }
0x17b: {  	(v2sf) =	vpush v10, $0xF;
	v11 =	vadd.s32 v9, v8  }
0x17c: {  	(v2sf) =	vpush v9, $0xF;
	v8 =	vadd.s32 $0x1, v11  }
0x17d: {  	(v2sf) =	vpush v8, $0xD  }
0x17e: {  	(v2sf) =	vpush v8, $0x8  }
0x17f: {  	(v2sf) =	vpush v8, $0xC;
	_ =	sdelay $0x1  }
0x180: {  	(v2sf) =	vpush v8, $0x0;
	_ =	sdelay $0x2  }
0x181: {  	(v2sf) =	vpush v8, $0x2;
	_ =	sdelay $0x1  }
0x182: {  	(v2sf) =	vpush v8, $0x9  }
0x183: {  	(v2sf) =	vpush v8, $0xA  }
0x184: {  	(v2sf) =	vpush v8, $0x1  }
0x185: {  	(v2sf) =	vpush v8, $0x3  }
0x186: {  	s0 =	spop (v2sf);
	(v2sf) =	vpush v8, $0x7  }
0x187: {  	(v2sf) =	vpush v8, $0xE;
	s1 =	spop (v2sf)  }
0x188: {  	(v2sf) =	vpush v8, $0x4;
	s2 =	spop (v2sf)  }
0x189: {  	(v2sf) =	vpush v8, $0xF;
	s3 =	smulhi.u32 $0x8FB823EF, s2;
	s6 =	spop (v2sf)  }
0x18a: {  	(v2sf) =	vpush v8, $0x5;
	s4 =	spop (v2sf);
	s7 =	smulhi.u32 $0x8FB823EF, s6  }
0x18b: {  	s9 =	sshra.s32 s6, $0x1F;
	s5 =	smulhi.u32 $0x8FB823EF, s4  }
0x18c: {  	s12 =	simm.s32 $0x40;
	s8 =	spop (v2sf);
	s9 =	smul.u32 $0x8FB823EF, s9  }
0x18d: {  	s15 =	sshra.s32 s2, $0x1F;
	(v2sf) =	vpush v8, $0xB;
	s13 =	sshra.s32 s4, $0x1F;
	s10 =	smulhi.u32 $0x8FB823EF, s8  }
0x18e: {  	s2 =	ssub.s32 s3, s2;
	s11 =	sshra.s32 s8, $0x1F;
	s21 =	smul.u32 $0x8FB823EF, s13  }
0x18f: {  	s14 =	spop (v2sf);
	s6 =	ssub.s32 s7, s6;
	s11 =	smul.u32 $0x8FB823EF, s11  }
0x190: {  	s16 =	sshra.s32 s14, $0x1F;
	s17 =	smulhi.u32 $0x8FB823EF, s14;
	s18 =	ssub.s32 s5, s4  }
0x191: {  	s22 =	spop (v2sf);
	s6 =	sadd.s32 s9, s6;
	s20 =	ssub.s32 s10, s8  }
0x192: {  	s23 =	sshra.s32 s22, $0x1F;
	s4 =	spop (v2sf);
	s24 =	smulhi.u32 $0x8FB823EF, s22  }
0x193: {  	(v2sf) =	vpush v8, $0x6;
	s8 =	sadd.s32 s21, s18;
	s9 =	smul.u32 $0x8FB823EF, s16;
	s25 =	spop (v2sf)  }
0x194: {  	s5 =	sadd.s32 s11, s20;
	s11 =	smul.u32 $0x8FB823EF, s15;
	s7 =	spop (v2sf)  }
0x195: {  	s14 =	ssub.s32 s17, s14;
	s15 =	smulhi.u32 $0x8FB823EF, s4;
	s17 =	spop (v2sf)  }
0x196: {  	s13 =	smul.u32 $0x8FB823EF, s23;
	s10 =	ssub.s32 s24, s22;
	s21 =	spop (v2sf)  }
0x197: {  	s19 =	smulhi.u32 $0x8FB823EF, s25;
	s20 =	sshra.s32 s25, $0x1F;
	s23 =	spop (v2sf)  }
0x198: {  	s9 =	sadd.s32 s9, s14;
	s20 =	smul.u32 $0x8FB823EF, s20;
	s22 =	spop (v2sf)  }
0x199: {  	s19 =	ssub.s32 s19, s25;
	s26 =	spop (v2sf);
	s25 =	smulhi.u32 $0x8FB823EF, s22  }
0x19a: {  	s14 =	sadd.s32 $0x0, s1;
	s30 =	smulhi.u32 $0x8FB823EF, s26;
	s31 =	sshra.s32 s26, $0x1F  }
0x19b: {  	s10 =	sadd.s32 s13, s10;
	s13 =	sadd.s32 $0x0, s0;
	s24 =	smul.u32 $0x8FB823EF, s31  }
0x19c: {  	s31 =	smulhi.u32 $0x8FB823EF, s21;
	s3 =	ssub.s32 s30, s26;
	s26 =	spop (v2sf)  }
0x19d: {  	s0 =	sadd.s32 s11, s2;
	s20 =	sadd.s32 s20, s19;
	s30 =	smulhi.u32 $0x8FB823EF, s26  }
0x19e: {  	s18 =	sadd.s32 s24, s3;
	s3 =	ssub.s32 s25, s22;
	s25 =	sshra.s32 s22, $0x1F  }
0x19f: {  	v12 =	vmov s5;
	s11 =	smul.u32 $0x8FB823EF, s25;
	s24 =	ssub.s32 s30, s26;
	s26 =	sshra.s32 s26, $0x1F  }
0x1a0: {  	vm10 =	vlt.u32 v11, $0x7FFFFFFF;
	v11 =	vnsel vm3, $0x0, v12;
	s2 =	ssub.s32 s31, s21;
	s30 =	sshra.s32 s21, $0x1F;
	s31 =	smul.u32 $0x8FB823EF, s26  }
0x1a1: {  	s19 =	ssub.s32 s15, s4;
	v12 =	vsel vm0, s20, v11;
	s20 =	rddreg [dreg:$0x1a];
	s25 =	smul.u32 $0x8FB823EF, s30  }
0x1a2: {  	s22 =	sadd.s32 s11, s3;
	s3 =	spop (v2sf);
	s30 =	smulhi.u32 $0x8FB823EF, s23  }
0x1a3: {  	s15 =	smov.u32 s20;
	s26 =	smulhi.u32 $0x8FB823EF, s3;
	s1 =	sadd.s32 s31, s24  }
0x1a4: {  	s31 =	smulhi.u32 $0x8FB823EF, s7;
	s21 =	ssub.s32 s30, s23;
	s23 =	sshra.s32 s23, $0x1F  }
0x1a5: {  	s16 =	ssub.s32 s26, s3;
	s3 =	sshra.s32 s3, $0x1F;
	s26 =	smul.u32 $0x8FB823EF, s23  }
0x1a6: {  	v9 =	vmov s6;
	s2 =	sadd.s32 s25, s2;
	s25 =	sshra.s32 s7, $0x1F;
	s3 =	smul.u32 $0x8FB823EF, s3  }
0x1a7: {  	v10 =	vsel vm0, s10, v9;
	v9 =	vmov s8;
	s30 =	sshra.s32 s4, $0x1F;
	s24 =	ssub.s32 s31, s7;
	s31 =	smul.u32 $0x8FB823EF, s25  }
0x1a8: {  	v13 =	vsel vm10, $0x1, v2;
	v14 =	vshra.s32 v8, $0x1F;
	v9 =	vsel vm0, s0, v9;
	s23 =	smul.u32 $0x8FB823EF, s30;
	s5 =	sadd.s32 s26, s21;
	s21 =	sshra.s32 s17, $0x1F  }
0x1a9: {  	v12 =	vsel vm1, s9, v12;
	v11 =	vsel vm1, s2, v9;
	v9 =	vadd.s32 v13, v14;
	s25 =	sadd.s32 s31, s24;
	s4 =	sadd.s32 s3, s16;
	s24 =	smulhi.u32 $0x8FB823EF, s17  }
.LBB2_16:
0x1aa: {  	p0 =	sne.s32 s12, $0xFC0  }
0x1ab: {  	s0 =	sadd.s32 s23, s19;
	v12 =	vsel vm2, s25, v12;
	s15 =	sadd.s32 $0x10, s15;
	s2 =	smov.u32 s12  }
0x1ac: {  	s12 =	sadd.s32 $0x40, s12;
	s3 =	smul.u32 $0x8FB823EF, s21;
	v10 =	vsel vm1, s0, v10;
	v12 =	vsel vm4, s5, v12;
	s0 =	ssub.s32 s24, s17  }
0x1ad: {  	v11 =	vsel vm2, s22, v11;
	v10 =	vsel vm2, s1, v10;
	v12 =	vsel vm5, s18, v12  }
0x1ae: {  	s0 =	sadd.s32 s3, s0;
	v10 =	vcombine.low v10, v11;
	v11 =	vsel vm6, s4, v12  }
0x1af: {  	v11 =	vsel vm7, s0, v11  }
0x1b0: {  	v10 =	vperm.xlane v10, v4;
	v11 =	vperm.xlane v11, v5;
	_ =	sdelay $0x1  }
0x1b1: {  	v10 =	vsel vm8, v11, v10  }
0x1b2: {  	v10 =	vadd.s32 v8, v10  }
0x1b3: {  	v11 =	vshrl.u32 v10, $0x1F;
	v10 =	vshra.s32 v10, $0x5  }
0x1b4: {  	v10 =	vadd.s32 v11, v10  }
0x1b5: {  	v11 =	vmul.u32 $0xFFFFFFC7, v10;
	_ =	sdelay $0x1  }
0x1b6: {  	vm10 =	vne.s32 v9, $0x1;
	v8 =	vadd.s32 v8, v11  }
0x1b7: {  	vm11 =	vne.s32 v8, $0x0;
	vm12 =	vlt.s32 v8, $0x0;
	v9 =	vadd.s32 $0x39, v8  }
0x1b8: {  	vm10 =	vmand vm11, vm10;
	v8 =	vsel vm12, v9, v8  }
0x1b9: {  	v9 =	vsel vm10, $0xFFFFFFFF, v2  }
0x1ba: {  	v9 =	vadd.s32 v9, v10  }
0x1bb: {  	v10 =	vand.u32 $0xFFFFFFF8, v8;
	v9 =	vshll.u32 v9, $0x6  }
0x1bc: {  	v8 =	vand.u32 $0x7, v8;
	v9 =	vadd.s32 v10, v9  }
0x1bd: {  	v8 =	vor.u32 v8, v9;
	_ =	sdelay $0x3  }
0x1be: {  	s0 =	sshra.s32 s2, $0x2;
	v9 =	vadd.s32 s20, v3;
	s20 =	smov.u32 s15  }
0x1bf: {  	[tilespmem:v8+s29+$0x0] =	vst.idx.msk vm9, v9  }
0x1c0: {  	v8 =	vld [tilespmem:s0+$0x0];
	_ =	sdelay $0x4  }
0x1c1: {  	vm9 =	veq.f32 v8, v6  }
0x1c2: {  	v9 =	vsel vm9, $0x1, v2  }
0x1c3: {  	(xrf0) =	vadd.scan.msk.s32 $0xffff, v9;
	_ =	sdelay $0x3  }
0x1c4: {  	v9 =	vsel vm9, $0xFFFFFFFF, v2  }
0x1c5: {  	v9 =	vadd.s32 s13, v9  }
0x1c6: {  	v10, _, _ =	vpop (xrf0)  }
0x1c7: {  	v9 =	vadd.s32 v10, v9;
	(v2sf) =	vpush v10, $0xF  }
0x1c8: {  	vm10 =	vlt.f32 v8, v6;
	vm11 =	vlt.s32 v9, v7  }
0x1c9: {  	vm9 =	vmand vm9, vm11  }
0x1ca: {  	vm9 =	vmor vm10, vm9  }
0x1cb: {  	v8 =	vsel vm9, $0x1, v2  }
0x1cc: {  	(xrf0) =	vadd.scan.msk.s32 $0xffff, v8;
	_ =	sdelay $0x3  }
0x1cd: {  	v8 =	vsel vm9, $0xFFFFFFFF, v2  }
0x1ce: {  	v8 =	vadd.s32 s14, v8  }
0x1cf: {  	v9, _, _ =	vpop (xrf0)  }
0x1d0: {  	v10 =	vadd.s32 v9, v8;
	(v2sf) =	vpush v9, $0xF  }
0x1d1: {  	v8 =	vadd.s32 $0x1, v10;
	vm10 =	vlt.u32 v10, $0x7FFFFFFF  }
0x1d2: {  	v9 =	vsel vm10, $0x1, v2;
	v10 =	vshra.s32 v8, $0x1F;
	(v2sf) =	vpush v8, $0xD  }
0x1d3: {  	v9 =	vadd.s32 v9, v10;
	(v2sf) =	vpush v8, $0x8;
	s0 =	spop (v2sf)  }
0x1d4: {  	s13 =	sadd.s32 s13, s0;
	(v2sf) =	vpush v8, $0xC  }
0x1d5: {  	(v2sf) =	vpush v8, $0x0  }
0x1d6: {  	(v2sf) =	vpush v8, $0x2;
	_ =	sdelay $0x2  }
0x1d7: {  	(v2sf) =	vpush v8, $0x9;
	_ =	sdelay $0x1  }
0x1d8: {  	(v2sf) =	vpush v8, $0xA  }
0x1d9: {  	(v2sf) =	vpush v8, $0x1;
	_ =	sdelay $0x1  }
0x1da: {  	(v2sf) =	vpush v8, $0x3  }
0x1db: {  	(v2sf) =	vpush v8, $0x7;
	s0 =	spop (v2sf)  }
0x1dc: {  	s14 =	sadd.s32 s14, s0;
	(v2sf) =	vpush v8, $0xE  }
0x1dd: {  	s18 =	spop (v2sf)  }
0x1de: {  	s22 =	smulhi.u32 $0x8FB823EF, s18;
	s0 =	spop (v2sf)  }
0x1df: {  	(v2sf) =	vpush v8, $0x4;
	s10 =	sshra.s32 s18, $0x1F;
	s2 =	smulhi.u32 $0x8FB823EF, s0  }
0x1e0: {  	s1 =	spop (v2sf);
	s10 =	smul.u32 $0x8FB823EF, s10  }
0x1e1: {  	s3 =	sshra.s32 s0, $0x1F;
	s4 =	smulhi.u32 $0x8FB823EF, s1  }
0x1e2: {  	s6 =	sshra.s32 s1, $0x1F;
	(v2sf) =	vpush v8, $0xF;
	s7 =	spop (v2sf);
	s3 =	smul.u32 $0x8FB823EF, s3  }
0x1e3: {  	s8 =	smulhi.u32 $0x8FB823EF, s7;
	s5 =	sshra.s32 s7, $0x1F;
	s9 =	spop (v2sf)  }
0x1e4: {  	s11 =	smul.u32 $0x8FB823EF, s5;
	s5 =	sshra.s32 s9, $0x1F;
	(v2sf) =	vpush v8, $0x5  }
0x1e5: {  	s1 =	ssub.s32 s4, s1;
	s4 =	ssub.s32 s8, s7;
	s7 =	smulhi.u32 $0x8FB823EF, s9  }
0x1e6: {  	s6 =	smul.u32 $0x8FB823EF, s6;
	s4 =	sadd.s32 s11, s4;
	s8 =	spop (v2sf)  }
0x1e7: {  	s0 =	ssub.s32 s2, s0;
	s11 =	sshra.s32 s8, $0x1F;
	v10 =	vmov s4;
	s7 =	ssub.s32 s7, s9;
	(v2sf) =	vpush v8, $0xB  }
0x1e8: {  	s1 =	sadd.s32 s6, s1;
	s4 =	smulhi.u32 $0x8FB823EF, s8;
	v11 =	vnsel vm3, $0x0, v10;
	s6 =	spop (v2sf)  }
0x1e9: {  	s0 =	sadd.s32 s3, s0;
	s2 =	smulhi.u32 $0x8FB823EF, s6;
	s9 =	spop (v2sf);
	(v2sf) =	vpush v8, $0x6  }
0x1ea: {  	s8 =	ssub.s32 s4, s8;
	s4 =	sshra.s32 s6, $0x1F;
	s16 =	smulhi.u32 $0x8FB823EF, s9  }
0x1eb: {  	s19 =	ssub.s32 s2, s6;
	s2 =	sshra.s32 s9, $0x1F;
	s6 =	spop (v2sf)  }
0x1ec: {  	s11 =	smul.u32 $0x8FB823EF, s11;
	s23 =	sshra.s32 s6, $0x1F;
	s17 =	spop (v2sf)  }
0x1ed: {  	s24 =	smulhi.u32 $0x8FB823EF, s6;
	s21 =	sshra.s32 s17, $0x1F;
	s25 =	spop (v2sf)  }
0x1ee: {  	s8 =	sadd.s32 s11, s8;
	s2 =	smul.u32 $0x8FB823EF, s2;
	s26 =	sshra.s32 s25, $0x1F  }
0x1ef: {  	s5 =	smul.u32 $0x8FB823EF, s5;
	s9 =	ssub.s32 s16, s9;
	s11 =	spop (v2sf)  }
0x1f0: {  	s16 =	smulhi.u32 $0x8FB823EF, s25;
	s6 =	ssub.s32 s24, s6;
	s24 =	sshra.s32 s11, $0x1F  }
0x1f1: {  	v10 =	vmov s0;
	s0 =	ssub.s32 s22, s18;
	s3 =	smulhi.u32 $0x8FB823EF, s11;
	s30 =	spop (v2sf)  }
0x1f2: {  	s16 =	ssub.s32 s16, s25;
	s25 =	smulhi.u32 $0x8FB823EF, s30;
	s31 =	sshra.s32 s30, $0x1F  }
0x1f3: {  	s0 =	sadd.s32 s10, s0;
	v10 =	vsel vm0, s8, v10;
	s8 =	spop (v2sf);
	s10 =	smul.u32 $0x8FB823EF, s31  }
0x1f4: {  	s22 =	ssub.s32 s25, s30;
	s18 =	smulhi.u32 $0x8FB823EF, s8;
	s25 =	sshra.s32 s8, $0x1F  }
0x1f5: {  	s7 =	sadd.s32 s5, s7;
	s5 =	smul.u32 $0x8FB823EF, s25;
	s22 =	sadd.s32 s10, s22  }
0x1f6: {  	s10 =	smul.u32 $0x8FB823EF, s24;
	s8 =	ssub.s32 s18, s8;
	s25 =	spop (v2sf)  }
0x1f7: {  	s30 =	smulhi.u32 $0x8FB823EF, s25;
	s31 =	sshra.s32 s25, $0x1F;
	s18 =	sadd.s32 s5, s8  }
0x1f8: {  	s3 =	ssub.s32 s3, s11;
	s5 =	smul.u32 $0x8FB823EF, s31;
	s8 =	spop (v2sf)  }
0x1f9: {  	s11 =	ssub.s32 s30, s25;
	s25 =	smulhi.u32 $0x8FB823EF, s8;
	s30 =	sshra.s32 s8, $0x1F  }
0x1fa: {  	s30 =	smul.u32 $0x8FB823EF, s30  }
.Ltmp7:
0x1fb: {  	(pc) =	sbr.rel @p0 .LBB2_16-.Ltmp7, $4  }
0x1fc: {  	s24 =	smul.u32 $0x8FB823EF, s26;
	s8 =	ssub.s32 s25, s8  }
0x1fd: {  	v12 =	vmov s1;
	s2 =	sadd.s32 s2, s9;
	s9 =	smul.u32 $0x8FB823EF, s23;
	s1 =	sadd.s32 s5, s11  }
0x1fe: {  	v12 =	vsel vm0, s0, v12;
	s23 =	smul.u32 $0x8FB823EF, s4;
	v13 =	vsel vm0, s2, v11;
	s0 =	sadd.s32 s24, s16;
	s5 =	sadd.s32 s10, s3  }
0x1ff: {  	s24 =	smulhi.u32 $0x8FB823EF, s17;
	v11 =	vsel vm1, s0, v12;
	v12 =	vsel vm1, s7, v13;
	s25 =	sadd.s32 s9, s6;
	s4 =	sadd.s32 s30, s8  }
0x200: {  	s0 =	sadd.s32 s23, s19;
	v6 =	vsel vm2, s25, v12  }
0x201: {  	v7 =	vsel vm1, s0, v10;
	v6 =	vsel vm4, s5, v6;
	s5 =	smul.u32 $0x8FB823EF, s21  }
0x202: {  	v62 =	vsel vm2, s22, v11;
	s2 =	ssub.s32 s24, s17;
	v7 =	vsel vm2, s1, v7;
	v6 =	vsel vm5, s18, v6  }
0x203: {  	v6 =	vsel vm6, s4, v6;
	s0 =	sadd.s32 s5, s2;
	v7 =	vcombine.low v7, v62  }
0x204: {  	v6 =	vsel vm7, s0, v6  }
0x205: {  	v7 =	vperm.xlane v7, v4;
	v6 =	vperm.xlane v6, v5;
	_ =	sdelay $0x1  }
0x206: {  	v6 =	vsel vm8, v6, v7  }
0x207: {  	v6 =	vadd.s32 v8, v6  }
0x208: {  	v7 =	vshrl.u32 v6, $0x1F;
	v6 =	vshra.s32 v6, $0x5  }
0x209: {  	v6 =	vadd.s32 v7, v6  }
0x20a: {  	v7 =	vmul.u32 $0xFFFFFFC7, v6;
	_ =	sdelay $0x1  }
0x20b: {  	v7 =	vadd.s32 v8, v7  }
0x20c: {  	vm10 =	vne.s32 v9, $0x1;
	vm11 =	vne.s32 v7, $0x0  }
0x20d: {  	vm10 =	vmand vm11, vm10  }
0x20e: {  	v8 =	vadd.s32 $0x39, v7;
	vm11 =	vlt.s32 v7, $0x0;
	v63 =	vsel vm10, $0xFFFFFFFF, v2  }
0x20f: {  	v7 =	vsel vm11, v8, v7;
	v6 =	vadd.s32 v63, v6  }
0x210: {  	v8 =	vand.u32 $0xFFFFFFF8, v7;
	v6 =	vshll.u32 v6, $0x6  }
0x211: {  	v7 =	vand.u32 $0x7, v7;
	v6 =	vadd.s32 v8, v6  }
0x212: {  	v6 =	vor.u32 v7, v6;
	_ =	sdelay $0x3  }
0x213: {  	s6 =	rddreg [dreg:$0x3];
	v7 =	vadd.s32 s20, v3  }
0x214: {  	s7 =	simm.s32 $0x39;
	s3 =	simm.s32 $0x640;
	s8 =	simm.s32 $0x1;
	[tilespmem:v6+s29+$0x0] =	vst.idx.msk vm9, v7  }
0x215: {  	[tilespmem:s3], [sflag:$0x1] =	stream.indirect.gather [hbm4b:s6+s7], $0x300, s29, s7, $0xb8;
	[tilespmem:$0xB140] =	vst v63  }
0x216: {  	_ =	swait.ge [sflag:s8], $0xAB00  }
0x217: {  	[sflag:s8] =	ssyncset.done $0x0  }
0x218: {  	s11 =	simm.s32 $0x0;
	s9 =	rddreg [dreg:$0xf];
	[sflag:s8] =	ssyncadd.s32 $0xFFFF5500  }
0x219: {  	[hbm4b:s9+s11] =	stream.linear.scatter [tilespmem:s3], [sflag:$0x2], $0xAB00, $0x38;
	[tilespmem:$0xB140] =	vst v63  }
0x21a: {  	_ =	swait.ge [sflag:s28], $0xAB00  }
0x21b: {  	[sflag:s28] =	ssyncset.done $0x0  }
0x21c: {  	s10 =	simm.s32 $0x440;
	[sflag:s28] =	ssyncadd.s32 $0xFFFF5500  }
0x21d: {  	[tilespmem:s3], [sflag:$0x1] =	stream.indirect.gather [hbm4b:s6+s7], $0x300, s10, s7, $0xb8;
	[tilespmem:$0xB140] =	vst v63  }
0x21e: {  	_ =	swait.ge [sflag:s8], $0xAB00  }
0x21f: {  	[sflag:s8] =	ssyncset.done $0x0  }
0x220: {  	s12 =	rddreg [dreg:$0x10];
	[sflag:s8] =	ssyncadd.s32 $0xFFFF5500  }
0x221: {  	[hbm4b:s12+s11] =	stream.linear.scatter [tilespmem:s3], [sflag:$0x2], $0xAB00, $0x38;
	[tilespmem:$0xB140] =	vst v63  }
0x222: {  	_ =	swait.ge [sflag:s28], $0xAB00  }
0x223: {  	[sflag:s28] =	ssyncset.done $0x0  }
0x224: {  	s13 =	simm.s32 $0x480;
	[sflag:s28] =	ssyncadd.s32 $0xFFFF5500  }
0x225: {  	[tilespmem:s3], [sflag:$0x1] =	stream.indirect.gather [hbm4b:s6+s7], $0x300, s13, s7, $0xb8;
	[tilespmem:$0xB140] =	vst v63  }
0x226: {  	_ =	swait.ge [sflag:s8], $0xAB00  }
0x227: {  	[sflag:s8] =	ssyncset.done $0x0  }
0x228: {  	s14 =	rddreg [dreg:$0x11];
	[sflag:s8] =	ssyncadd.s32 $0xFFFF5500  }
0x229: {  	[hbm4b:s14+s11] =	stream.linear.scatter [tilespmem:s3], [sflag:$0x2], $0xAB00, $0x38;
	[tilespmem:$0xB140] =	vst v63  }
0x22a: {  	_ =	swait.ge [sflag:s28], $0xAB00  }
0x22b: {  	[sflag:s28] =	ssyncset.done $0x0  }
0x22c: {  	s15 =	simm.s32 $0x4C0;
	[sflag:s28] =	ssyncadd.s32 $0xFFFF5500  }
0x22d: {  	[tilespmem:s3], [sflag:$0x1] =	stream.indirect.gather [hbm4b:s6+s7], $0x300, s15, s7, $0xb8;
	[tilespmem:$0xB140] =	vst v63  }
0x22e: {  	_ =	swait.ge [sflag:s8], $0xAB00  }
0x22f: {  	[sflag:s8] =	ssyncset.done $0x0  }
0x230: {  	s16 =	rddreg [dreg:$0x12];
	[sflag:s8] =	ssyncadd.s32 $0xFFFF5500  }
0x231: {  	[hbm4b:s16+s11] =	stream.linear.scatter [tilespmem:s3], [sflag:$0x2], $0xAB00, $0x38;
	[tilespmem:$0xB140] =	vst v63  }
0x232: {  	_ =	swait.ge [sflag:s28], $0xAB00  }
0x233: {  	[sflag:s28] =	ssyncset.done $0x0  }
0x234: {  	s17 =	simm.s32 $0x500;
	[sflag:s28] =	ssyncadd.s32 $0xFFFF5500  }
0x235: {  	[tilespmem:s3], [sflag:$0x1] =	stream.indirect.gather [hbm4b:s6+s7], $0x300, s17, s7, $0xb8;
	[tilespmem:$0xB140] =	vst v63  }
0x236: {  	_ =	swait.ge [sflag:s8], $0xAB00  }
0x237: {  	[sflag:s8] =	ssyncset.done $0x0  }
0x238: {  	s18 =	rddreg [dreg:$0x13];
	[sflag:s8] =	ssyncadd.s32 $0xFFFF5500  }
0x239: {  	[hbm4b:s18+s11] =	stream.linear.scatter [tilespmem:s3], [sflag:$0x2], $0xAB00, $0x38;
	[tilespmem:$0xB140] =	vst v63  }
0x23a: {  	_ =	swait.ge [sflag:s28], $0xAB00  }
0x23b: {  	[sflag:s28] =	ssyncset.done $0x0  }
0x23c: {  	s19 =	simm.s32 $0x540;
	[sflag:s28] =	ssyncadd.s32 $0xFFFF5500  }
0x23d: {  	[tilespmem:s3], [sflag:$0x1] =	stream.indirect.gather [hbm4b:s6+s7], $0x300, s19, s7, $0xb8;
	[tilespmem:$0xB140] =	vst v63  }
0x23e: {  	_ =	swait.ge [sflag:s8], $0xAB00  }
0x23f: {  	[sflag:s8] =	ssyncset.done $0x0  }
0x240: {  	s20 =	rddreg [dreg:$0x15];
	[sflag:s8] =	ssyncadd.s32 $0xFFFF5500  }
0x241: {  	[hbm4b:s20+s11] =	stream.linear.scatter [tilespmem:s3], [sflag:$0x2], $0xAB00, $0x38;
	[tilespmem:$0xB140] =	vst v63  }
0x242: {  	_ =	swait.ge [sflag:s28], $0xAB00  }
0x243: {  	[sflag:s28] =	ssyncset.done $0x0  }
0x244: {  	s21 =	simm.s32 $0x580;
	[sflag:s28] =	ssyncadd.s32 $0xFFFF5500  }
0x245: {  	[tilespmem:s3], [sflag:$0x1] =	stream.indirect.gather [hbm4b:s6+s7], $0x300, s21, s7, $0xb8;
	[tilespmem:$0xB140] =	vst v63  }
0x246: {  	_ =	swait.ge [sflag:s8], $0xAB00  }
0x247: {  	[sflag:s8] =	ssyncset.done $0x0  }
0x248: {  	s22 =	rddreg [dreg:$0x16];
	[sflag:s8] =	ssyncadd.s32 $0xFFFF5500  }
0x249: {  	[hbm4b:s22+s11] =	stream.linear.scatter [tilespmem:s3], [sflag:$0x2], $0xAB00, $0x38;
	[tilespmem:$0xB140] =	vst v63  }
0x24a: {  	_ =	swait.ge [sflag:s28], $0xAB00  }
0x24b: {  	[sflag:s28] =	ssyncset.done $0x0  }
0x24c: {  	s23 =	simm.s32 $0x5C0;
	[sflag:s28] =	ssyncadd.s32 $0xFFFF5500  }
0x24d: {  	[tilespmem:s3], [sflag:$0x1] =	stream.indirect.gather [hbm4b:s6+s7], $0x300, s23, s7, $0xb8;
	[tilespmem:$0xB140] =	vst v63  }
0x24e: {  	_ =	swait.ge [sflag:s8], $0xAB00  }
0x24f: {  	[sflag:s8] =	ssyncset.done $0x0  }
0x250: {  	s24 =	rddreg [dreg:$0x17];
	[sflag:s8] =	ssyncadd.s32 $0xFFFF5500  }
0x251: {  	[hbm4b:s24+s11] =	stream.linear.scatter [tilespmem:s3], [sflag:$0x2], $0xAB00, $0x38;
	[tilespmem:$0xB140] =	vst v63  }
0x252: {  	_ =	swait.ge [sflag:s28], $0xAB00  }
0x253: {  	[sflag:s28] =	ssyncset.done $0x0  }
0x254: {  	s25 =	simm.s32 $0x600;
	[sflag:s28] =	ssyncadd.s32 $0xFFFF5500  }
0x255: {  	[tilespmem:s3], [sflag:$0x1] =	stream.indirect.gather [hbm4b:s6+s7], $0x300, s25, s7, $0xb8;
	[tilespmem:$0xB140] =	vst v63  }
0x256: {  	_ =	swait.ge [sflag:s8], $0xAB00  }
0x257: {  	[sflag:s8] =	ssyncset.done $0x0  }
0x258: {  	s26 =	rddreg [dreg:$0x18];
	[sflag:s8] =	ssyncadd.s32 $0xFFFF5500  }
0x259: {  	[hbm4b:s26+s11] =	stream.linear.scatter [tilespmem:s3], [sflag:$0x2], $0xAB00, $0x38;
	[tilespmem:$0xB140] =	vst v63  }
0x25a: {  	_ =	swait.ge [sflag:s28], $0xAB00  }
0x25b: {  	s30 =	rddreg [dreg:$0x1b]  }
0x25c: {  	s31 =	rddreg [dreg:$0x19];
	s1 =	sadd.s32 $0x1, s30  }
0x25d: {  	p0 =	sne.s32 s1, s31  }
.Ltmp8:
0x25e: {  	_ = 	snop;
	(pc) =	sbr.rel @p0 .LBB2_1-.Ltmp8, $3  }
0x25f: {  	_ =	sdelay $0x1  }
0x260: {  	[sflag:s28] =	ssyncset.done $0x0  }
0x261: {  	[sflag:s28] =	ssyncadd.s32 $0xFFFF5500  }
0x262: {  	_ =	sfence.sel $0x180000  }
0x263: {  	[bflag:$0x0] =	sbarrier.arrive $0xFFFF  }
0x264: {  	_ =	strace $0x90000047  }
0x265: {  	s0 =	stileid.u32;
	[bflag:$0x2] =	sbarrier.arrive $0xFFFF  }
0x266: {  	p0 =	sne.s32 s0, $0x0;
	s0 =	rddreg [dreg:$0x2]  }
0x267: {  	s0 =	sadd.s32 @!p0 $0x100000, s0  }
0x268: {  	[sflag:s0] =	ssyncadd.tile.s32 @!p0 $0x1;
	_ =	shalt  }
.Lfunc_end2:
_tile_overlayer_lowered:
.L_overlay_start_2:
0x269: {  	(tag) =	ssettag $0x2  }
0x26a: {  	s0 =	rddreg [dreg:$0x0];
	s2 =	stileid.u32  }
0x26b: {  	s1 =	rddreg [dreg:$0x1];
	p0 =	sne.s32 s2, $0x0  }
0x26c: {  	s3 =	rddreg [dreg:$0x2];
	[bflag:$0x3] =	sbarrier.arrive $0xFFFF;
	s2 =	simm.s32 @!p0 $0x1C02  }
0x26d: {  	[timem:s3], [sflag:s2] =	dma.local @!p0 [hbm:s0], s1  }
0x26e: {  	s0 =	simm.s32 @!p0 $0x2  }
0x26f: {  	_ =	swait.ge @!p0 [sflag:s0], s1  }
0x270: {  	s1 =	ssub.s32 @!p0 $0x0, s1;
	[sflag:s0] =	ssyncset.done @!p0 $0x0  }
0x271: {  	[sflag:s0] =	ssyncadd.s32 @!p0 s1  }
0x272: {  	[bflag:$0x3] =	sbarrier.arrive $0xFFFF  }
0x273: {  	_ =	shalt  }

// kernel: sparse-core-data-format-call.cloned.1.call-start
scs
called_computation_lowered:
.L_overlay_start_0:
0x0: {  	s2 =	sld [smem:$0x3FD9]  }
0x1: {  	s3 =	sld [smem:$0x3FFE];
	_ =	sdelay $0x1  }
0x2: {  	s1 =	srdreg.scid  }
0x3: {  	s0 =	sand.u32 $0x1, s1  }
0x4: {  	s18 =	sshll.u32 s0, $0xA;
	s2 =	sadd.s32 s3, s2  }
0x5: {  	s2 =	sadd.s32 s2, s18  }
0x6: {  	[smem:$0x3FC6] =	sst s2  }
0x7: {  	_ = 	snop  }
0x8: {  	s2 =	sld [smem:$0x3FD0];
	(tm) =	ssettm $0x1  }
0x9: {  	s19 =	sld [smem:$0x3FFB];
	_ =	sdelay $0x3  }
0xa: {  	_ =	strace s19  }
0xb: {  	s3 =	sld [smem:$0x3FFC];
	_ =	sdelay $0x3  }
0xc: {  	_ =	strace s3  }
0xd: {  	s3 =	sld [smem:$0x3FFD];
	_ =	sdelay $0x3  }
0xe: {  	_ =	strace s3  }
0xf: {  	_ =	strace $0x8FFFFFFF  }
0x10: {  	s20 =	sld [smem:$0x3FDB];
	_ =	sdelay $0x1  }
0x11: {  	s4 =	simm.s32 $_scs_section_size  }
0x12: {  	s5 =	simm.s32 $_size__tile_overlayer_lowered;
	s6 =	simm.s32 $_tile_overlayer_lowered  }
0x13: {  	s23 =	simm.s32 $0x1BFF;
	s22 =	sshll.u32 s6, $0x1;
	s3 =	sadd.s32 s4, s20  }
0x14: {  	s7 =	simm.s32 $0x0;
	s21 =	sshll.u32 s5, $0x1;
	s5 =	sadd.s32 s22, s3  }
0x15: {  	[timem:s7], [sflag:s23] =	dma.local [hbm:s5], s21  }
0x16: {  	_ =	swait.ge [sflag:s23], s21  }
0x17: {  	s4 =	ssub.s32 $0x0, s21;
	[sflag:s23] =	ssyncset.done $0x0  }
0x18: {  	[sflag:s23] =	ssyncadd.s32 s4;
	_ =	sdelay $0x1  }
0x19: {  	s24 =	simm.s32 $0x1B8B  }
0x1a: {  	_ =	swait.ge [sflag:s24], $0x1  }
0x1b: {  	[sflag:s24] =	ssyncset.done $0x0  }
0x1c: {  	s26 =	simm.s32 $0x1B8E;
	s25 =	sld [smem:$0x3FFE];
	[sflag:s24] =	ssyncadd.s32 $0xFFFFFFFF  }
0x1d: {  	s27 =	simm.s32 $execute0_lowered;
	[smem:$0x3FD2] =	sst s26  }
0x1e: {  	s5 =	sshll.u32 s27, $0x1;
	_ =	strace $0x80000049;
	[dreg:$0x1] =	wrdreg $0xFFFFFFFF  }
0x1f: {  	s28 =	simm.s32 $_size_execute0_lowered;
	s3 =	sadd.s32 s3, s5;
	[dreg:$0x0] =	wrdreg $0x0  }
0x20: {  	s5 =	sshll.u32 s28, $0x1;
	[dreg:$0x2] =	wrdreg s3  }
0x21: {  	[dreg:$0x3] =	wrdreg s5  }
0x22: {  	[dreg:$0x4] =	wrdreg $0xC0  }
0x23: {  	_ =	task [dreg:s7], $0x5FFFF  }
0x24: {  	[dreg:$0x1] =	wrdreg $0xFFFFFFFF  }
0x25: {  	[dreg:$0x0] =	wrdreg $0x60  }
0x26: {  	[dreg:$0x2] =	wrdreg s25  }
0x27: {  	[dreg:$0x3] =	wrdreg s2  }
0x28: {  	[dreg:$0x4] =	wrdreg $0x9  }
0x29: {  	_ =	task.clear_ibuf [dreg:s7], $0x5FFFF;
	_ =	strace $0x90000049  }
0x2a: {  	s29 =	simm.s32 $0x9;
	_ =	strace $0x8000004B  }
0x2b: {  	_ =	swait.ge [sflag:s29], $0x1  }
0x2c: {  	[sflag:s29] =	ssyncadd.s32 $0xFFFFFFFF  }
0x2d: {  	_ =	strace $0x9000004B  }
0x2e: {  	_ =	sfence  }
0x2f: {  	s30 =	sld [smem:$0x0];
	_ =	sdelay $0x2  }
0x30: {  	s31 =	sshll.u32 s1, $0xD;
	s1 =	sshrl.u32 s1, $0x2  }
0x31: {  	s3 =	sand.u32 $0x4000, s31;
	s1 =	sadd.s32 s1, s30  }
0x32: {  	s0 =	sor.u32 s3, s0;
	s1 =	sshll.u32 s1, $0x11  }
0x33: {  	s0 =	sor.u32 s1, s0  }
0x34: {  	s0 =	sadd.s32 $0x8F2B, s0  }
0x35: {  	[sflag:s0] =	ssyncadd.remote.s32 $0x1  }
0x36: {  	_ =	sfence.sel $0xFFFF  }
0x37: {  	[dreg:$0x0] =	wrdreg $0xFFFFFFFF;
	(pc) =	sbr.abs _section_cstart, $3  }
0x38: {  	[dreg:$0x1] =	wrdreg $0xFFFFFFFF  }
0x39: {  	_ =	task.clear_ibuf [dreg:s7], $0x2FFFF;
	_ =	strace $0x9FFFFFFF  }
0x3a: {  	(tm) =	ssettm $0x7FFFFFFF  }
0x3b: {  	_ =	shalt  }
tec
execute0_lowered:
.L_overlay_start_1:
0x0: {  	(tag) =	ssettag $0x1  }
0x1: {  	s0 =	srdreg.scid;
	s5 =	rddreg [dreg:$0x0]  }
0x2: {  	s2 =	rddreg [dreg:$0x1];
	s4 =	simm.s32 $0x1;
	s7 =	simm.s32 $0x2  }
0x3: {  	s16 =	simm.s32 $0x0;
	s18 =	simm.s32 $0x0;
	s1 =	sshll.u32 s0, $0x4  }
0x4: {  	s17 =	simm.s32 $0x0;
	s0 =	stileid.u32;
	s1 =	sand.u32 $0x10, s1  }
0x5: {  	s9 =	simm.s32 $0x0;
	s10 =	simm.s32 $0x0;
	s1 =	sor.u32 s0, s1  }
0x6: {  	s12 =	simm.s32 $0x0;
	s11 =	simm.s32 $0x0;
	s3 =	sshll.u32 s1, $0x1  }
.Ltmp0:
0x7: {  	s14 =	simm.s32 $0x0;
	s6 =	ssub.s32 $0x200, s3;
	(pc) =	sbr.rel .LBB1_1-.Ltmp0, $4  }
0x8: {  	s1 =	rddreg [dreg:$0x2];
	_ =	strace $0x8000004A;
	s6 =	sshrl.u32 s6, $0x6  }
0x9: {  	s15 =	simm.s32 $0x0;
	[sflag:s4] =	ssyncpa.u1 $0x0;
	s8 =	smul.u32 $0x6, s6  }
0xa: {  	s5 =	sadd.s32 $0xA00, s5;
	s13 =	smov.u32 s3;
	[sflag:s7] =	ssyncpa.u1 $0x0  }
0xb: {  	s6 =	sadd.s32 $0x6, s8;
	s7 =	sadd.s32 $0x7, s8;
	s8 =	simm.s32 $0x1800  }
.LBB1_7:
0xc: {  	p0 =	slt.u32 s15, $0x2  }
0xd: {  	p1 =	sgt.s32 @!p0 s18, $0x1FF  }
0xe: {  	s19 =	smov.u32 s18;
	s20 =	sshra.s32 @!p0 s18, $0x1F;
	p1 =	por !p1, p0  }
0xf: {  	s18 =	sand.u32 @!p0 s20, s18;
	s19 =	simm.s32 @p1 $0x1FF  }
0x10: {  	p2 =	sgt.s32 @!p0 s16, $0x280;
	s18 =	ssub.s32 @!p0 s19, s18  }
0x11: {  	p2 =	por !p2, p0;
	s20 =	sshra.s32 @!p0 s16, $0x1F;
	s19 =	sadd.s32 @!p0 $0xFFFFFE01, s18  }
0x12: {  	s18 =	ssub.s32 @!p0 $0x201, s18;
	p1 =	sgt.s32 @!p0 s19, $0x1;
	s19 =	ssub.s32 @!p0 $0x0, s17  }
0x13: {  	p1 =	por !p1, p0;
	s17 =	smin.u32 @!p0 s17, s19;
	s19 =	smov.u32 s16  }
0x14: {  	s16 =	sand.u32 @!p0 s20, s16;
	s20 =	smov.u32 s13;
	s19 =	simm.s32 @p2 $0x280  }
0x15: {  	p2 =	sgt.s32 @!p0 s17, $0x3F;
	s17 =	ssub.s32 @!p0 $0x40, s17;
	s16 =	ssub.s32 @!p0 s19, s16  }
0x16: {  	s18 =	simm.s32 @!p1 $0x0;
	p2 =	por !p2, p0;
	s19 =	sadd.s32 @!p0 $0xFFFFFD80, s16  }
0x17: {  	s17 =	simm.s32 @!p2 $0x0;
	s16 =	ssub.s32 @!p0 $0x300, s16;
	p1 =	sgt.s32 @!p0 s19, $0x7F  }
0x18: {  	s17 =	smul.u32 @!p0 s17, s18;
	s19 =	sadd.s32 $0x80, s11;
	p1 =	por !p1, p0  }
0x19: {  	s18 =	sadd.s32 $0x40, s13;
	s16 =	simm.s32 @!p1 $0x0;
	p1 =	sgt.s32 s19, $0x2FF  }
0x1a: {  	s21 =	smov.u32 s14;
	s20 =	smov.u32 @p1 s18  }
0x1b: {  	s16 =	smul.u32 @!p0 s16, s17;
	s17 =	sadd.s32 $0x40, s14;
	p2 =	sgt.s32 s20, $0x200  }
0x1c: {  	s22 =	simm.s32 @!p0 $0x2;
	s21 =	smov.u32 @p2 s17  }
0x1d: {  	s19 =	simm.s32 @p1 $0x0;
	s18 =	smov.u32 s10;
	p1 =	sgt.s32 s21, $0x3F  }
0x1e: {  	s10 =	smov.u32 s13;
	s21 =	simm.s32 @p1 $0x0;
	p1 =	sne.s32 s15, s7  }
.Ltmp1:
0x1f: {  	s16 =	sand.u32 @!p0 $0x3FFFFFFF, s16;
	s20 =	smov.u32 @p2 s3;
	(pc) =	sbr.rel @!p1 .LBB1_8-.Ltmp1, $4  }
0x20: {  	s17 =	smov.u32 s12;
	s12 =	smov.u32 s14;
	_ =	swait.ge @!p0 [sflag:s22], s16  }
0x21: {  	s23 =	ssub.s32 @!p0 $0x0, s16;
	s16 =	smov.u32 s9;
	s9 =	smov.u32 s11  }
0x22: {  	s11 =	smov.u32 s19;
	s13 =	smov.u32 s20;
	[sflag:s22] =	ssyncset.done @!p0 $0x0  }
0x23: {  	s15 =	sadd.s32 $0x1, s15;
	[sflag:s22] =	ssyncadd.s32 @!p0 s23;
	s14 =	smov.u32 s21  }
.LBB1_1:
0x24: {  	p0 =	sge.u32 s15, s6  }
0x25: {  	s19 =	sshrl.u32 @!p0 s13, $0x3  }
0x26: {  	s20 =	sshll.u32 @!p0 s11, $0x3;
	s19 =	smul.u32 @!p0 $0x1800, s19  }
0x27: {  	s21 =	sshll.u32 @!p0 s13, $0x7;
	s20 =	sand.u32 @!p0 $0xFFFFFC00, s20  }
0x28: {  	s19 =	sadd.s32 @!p0 s19, s20;
	s20 =	sand.u32 @!p0 $0x380, s21  }
0x29: {  	s19 =	sor.u32 @!p0 s20, s19  }
0x2a: {  	s20 =	sand.u32 @!p0 $0x7F, s11;
	s21 =	smulhi.u32 @!p0 $0xAAAAAAAB, s19  }
0x2b: {  	s19 =	sor.u32 @!p0 s20, s19  }
0x2c: {  	s20 =	smulhi.u32 @!p0 $0xAAAAAAAB, s19;
	s21 =	sshrl.u32 @!p0 s21, $0x9  }
0x2d: {  	s22 =	smulhi.u32 @!p0 $0x7E07E1, s21;
	_ =	sdelay $0x1  }
0x2e: {  	s20 =	sshrl.u32 @!p0 s20, $0x9;
	s22 =	smul.u32 @!p0 $0x208, s22  }
0x2f: {  	s20 =	smul.u32 @!p0 $0x300, s20  }
0x30: {  	s23 =	sxor.u32 @!p0 $0xFFFFFFFF, s15;
	s21 =	ssub.s32 @!p0 s21, s22;
	s22 =	smul.u32 @!p0 $0xC300, s14  }
0x31: {  	s23 =	sshll.u32 @!p0 s23, $0xE;
	s19 =	ssub.s32 @!p0 s19, s20;
	s20 =	smul.u32 @!p0 $0x60, s21  }
0x32: {  	s21 =	sand.u32 @!p0 $0x4000, s23;
	s23 =	sand.u32 @!p0 $0x7, s19;
	s22 =	sadd.s32 @!p0 s5, s22  }
0x33: {  	s19 =	sshrl.u32 @!p0 s19, $0x3;
	s20 =	sadd.s32 @!p0 s20, s22;
	s22 =	sshll.u32 @!p0 s23, $0x12  }
0x34: {  	s19 =	sadd.s32 @!p0 s19, s20;
	s20 =	sor.u32 @!p0 $0x100, s22;
	s22 =	simm.s32 @!p0 $0x61800  }
0x35: {  	[tilespmem:s21], [sflag:$0x1] =	stream.strided.gather @!p0 [hbm4b:s19+s20], $0x4000, s22, s20, $0x38;
	[tilespmem:$0x10000] =	vst v63  }
0x36: {  	p0 =	seq.s32 s15, $0x0  }
0x37: {  	p1 =	sge.u32 @!p0 s15, s7  }
0x38: {  	p0 =	por p0, p1  }
.Ltmp2:
0x39: {  	_ = 	snop;
	(pc) =	sbr.rel @p0 .LBB1_7-.Ltmp2, $1  }
0x3a: {  	_ =	sdelay $0x3  }
0x3b: {  	_ =	swait.ge [sflag:s4], $0x4000;
	s19 =	sshll.u32 s15, $0xE  }
0x3c: {  	[sflag:s4] =	ssyncset.done $0x0;
	s20 =	sand.u32 $0x4000, s19  }
0x3d: {  	s21 =	simm.s32 $0x0;
	[sflag:s4] =	ssyncadd.s32 $0xFFFFC000;
	s19 =	sor.u32 $0x8000, s20  }
.LBB1_3:
0x3e: {  	s22 =	sshll.u32 s21, $0x8  }
0x3f: {  	s22 =	sand.u32 $0x3FFFFF00, s22  }
0x40: {  	s23 =	sshll.u32 s21, $0x7;
	s22 =	sadd.s32 s22, s20  }
0x41: {  	s23 =	sand.u32 $0x3FFFFF80, s23;
	v0 =	vmov s22  }
0x42: {  	s23 =	sadd.s32 s23, s19  }
0x43: {  	p0 =	por $0x1, $0x1;
	v1 =	vmov s23;
	s22 =	simm.s32 $0x0  }
.LBB1_4:
0x44: {  	s23 =	sshll.u32 s22, $0x7  }
0x45: {  	s23 =	sand.u32 $0x3FFFFF80, s23  }
0x46: {  	v2 =	vld.idx.msk [tilespmem:v0+s23+$0x0 ss:$0x1], $0xffff  }
0x47: {  	v3 =	vld.idx.msk [tilespmem:v0+s23+$0x10 ss:$0x1], $0xffff  }
0x48: {  	v4 =	vld.idx.msk [tilespmem:v0+s23+$0x20 ss:$0x1], $0xffff  }
0x49: {  	s31 =	sshll.u32 s22, $0xD;
	v5 =	vld.idx.msk [tilespmem:v0+s23+$0x30 ss:$0x1], $0xffff  }
0x4a: {  	s22 =	sand.u32 $0x3FFFE000, s31;
	v6 =	vld.idx.msk [tilespmem:v0+s23+$0x40 ss:$0x1], $0xffff  }
0x4b: {  	v63 =	vld.idx.msk [tilespmem:v0+s23+$0x70 ss:$0x1], $0xffff;
	[tilespmem:v1+s22+$0x0 ss:$0x1] =	vst.idx.msk $0xffff, v2  }
0x4c: {  	v2 =	vld.idx.msk [tilespmem:v0+s23+$0x50 ss:$0x1], $0xffff;
	[tilespmem:v1+s22+$0x10 ss:$0x1] =	vst.idx.msk $0xffff, v3  }
0x4d: {  	p1 =	por p0, p0;
	v3 =	vld.idx.msk [tilespmem:v0+s23+$0x60 ss:$0x1], $0xffff;
	[tilespmem:v1+s22+$0x20 ss:$0x1] =	vst.idx.msk $0xffff, v4  }
.Ltmp3:
0x4e: {  	[tilespmem:v1+s22+$0x30 ss:$0x1] =	vst.idx.msk $0xffff, v5;
	(pc) =	sbr.rel @p1 .LBB1_4-.Ltmp3, $4  }
0x4f: {  	[tilespmem:v1+s22+$0x40 ss:$0x1] =	vst.idx.msk $0xffff, v6  }
0x50: {  	[tilespmem:v1+s22+$0x70 ss:$0x1] =	vst.idx.msk $0xffff, v63  }
0x51: {  	[tilespmem:v1+s22+$0x50 ss:$0x1] =	vst.idx.msk $0xffff, v2  }
0x52: {  	p0 =	por $0x0, $0x0;
	[tilespmem:v1+s22+$0x60 ss:$0x1] =	vst.idx.msk $0xffff, v3;
	s22 =	simm.s32 $0x1  }
0x53: {  	s21 =	sadd.s32 $0x1, s21  }
0x54: {  	p0 =	sne.s32 s21, $0x40  }
.Ltmp4:
0x55: {  	_ = 	snop;
	(pc) =	sbr.rel @p0 .LBB1_3-.Ltmp4, $1  }
0x56: {  	_ =	sdelay $0x3  }
0x57: {  	s20 =	sshrl.u32 s12, $0x3  }
0x58: {  	s21 =	sshll.u32 s9, $0x3;
	s22 =	sshll.u32 s12, $0x7;
	s23 =	sand.u32 $0x7F, s9  }
0x59: {  	p0 =	sgt.s32 s10, $0x1FF;
	s25 =	sshra.s32 s10, $0x1F;
	s29 =	smul.u32 $0x1800, s10  }
0x5a: {  	s26 =	sshra.s32 s9, $0x1F;
	s27 =	ssub.s32 $0x0, s12;
	s20 =	smul.u32 $0x1800, s20  }
0x5b: {  	s21 =	sand.u32 $0xFFFFFC00, s21;
	s24 =	sand.u32 $0x380, s22;
	s22 =	sand.u32 s25, s10  }
0x5c: {  	s25 =	smov.u32 s9;
	s20 =	sadd.s32 s20, s21;
	s21 =	smov.u32 s10  }
0x5d: {  	s26 =	sand.u32 s26, s9;
	s20 =	sor.u32 s24, s20;
	s21 =	simm.s32 @!p0 $0x1FF  }
0x5e: {  	p0 =	sgt.s32 s9, $0x280;
	s23 =	sor.u32 s23, s20;
	s21 =	ssub.s32 s21, s22  }
0x5f: {  	s25 =	simm.s32 @!p0 $0x280;
	s20 =	smulhi.u32 $0xAAAAAAAB, s20;
	s22 =	sadd.s32 $0xFFFFFE01, s21  }
0x60: {  	s24 =	smulhi.u32 $0xAAAAAAAB, s23;
	s21 =	ssub.s32 $0x201, s21;
	p1 =	sgt.s32 s22, $0x1  }
0x61: {  	s22 =	ssub.s32 s25, s26;
	s25 =	smin.u32 s12, s27;
	s20 =	sshrl.u32 s20, $0x9  }
0x62: {  	s24 =	sshrl.u32 s24, $0x9;
	s21 =	simm.s32 @p1 $0x0;
	p0 =	sgt.s32 s25, $0x3F  }
0x63: {  	s25 =	ssub.s32 $0x40, s25;
	s20 =	sand.u32 $0x3F, s20;
	s24 =	smul.u32 $0x300, s24  }
0x64: {  	s28 =	sadd.s32 $0xFFFFFD80, s22;
	s25 =	simm.s32 @p0 $0x0;
	s20 =	smul.u32 $0x60, s20  }
0x65: {  	s22 =	ssub.s32 $0x300, s22;
	p0 =	sgt.s32 s28, $0x7F;
	s21 =	smul.u32 s25, s21  }
.Ltmp5:
0x66: {  	s22 =	simm.s32 @p0 $0x0;
	s23 =	ssub.s32 s23, s24;
	(pc) =	sbr.rel .LBB1_7-.Ltmp5, $4  }
0x67: {  	s30 =	sadd.s32 s2, s29;
	s21 =	smul.u32 s22, s21;
	s24 =	sand.u32 $0x7, s23  }
0x68: {  	s20 =	sadd.s32 s20, s30;
	s23 =	sshrl.u32 s23, $0x3;
	s31 =	sshll.u32 s24, $0x12  }
0x69: {  	s20 =	sadd.s32 s23, s20;
	s21 =	sand.u32 $0x3FFFFFFF, s21;
	s22 =	sor.u32 $0x400, s31  }
0x6a: {  	[hbm4b:s20+s22] =	stream.strided.scatter [tilespmem:s19], [sflag:$0x2], s21, s8, s22, $0x38;
	[tilespmem:$0x10000] =	vst v63  }
.LBB1_8:
0x6b: {  	_ =	sfence.sel $0x180000  }
0x6c: {  	s2 =	simm.s32 $0x1;
	[bflag:$0x0] =	sbarrier.arrive $0xFFFF  }
0x6d: {  	s31 =	simm.s32 $0x2;
	[sflag:s2] =	ssyncpa.u1 $0x1  }
0x6e: {  	[sflag:s31] =	ssyncpa.u1 $0x1  }
0x6f: {  	p0 =	sne.s32 s0, $0x0;
	_ =	strace $0x9000004A  }
0x70: {  	s0 =	sadd.s32 @!p0 $0x100000, s1;
	[bflag:$0x2] =	sbarrier.arrive $0xFFFF  }
0x71: {  	[sflag:s0] =	ssyncadd.tile.s32 @!p0 $0x1;
	_ =	shalt  }
.Lfunc_end1:
_tile_overlayer_lowered:
.L_overlay_start_2:
0x72: {  	(tag) =	ssettag $0x2  }
0x73: {  	s0 =	rddreg [dreg:$0x0];
	s2 =	stileid.u32  }
0x74: {  	s1 =	rddreg [dreg:$0x1];
	p0 =	sne.s32 s2, $0x0  }
0x75: {  	s3 =	rddreg [dreg:$0x2];
	[bflag:$0x3] =	sbarrier.arrive $0xFFFF;
	s2 =	simm.s32 @!p0 $0x1C01  }
0x76: {  	[timem:s3], [sflag:s2] =	dma.local @!p0 [hbm:s0], s1  }
0x77: {  	s0 =	simm.s32 @!p0 $0x1  }
0x78: {  	_ =	swait.ge @!p0 [sflag:s0], s1  }
0x79: {  	s1 =	ssub.s32 @!p0 $0x0, s1;
	[sflag:s0] =	ssyncset.done @!p0 $0x0  }
0x7a: {  	[sflag:s0] =	ssyncadd.s32 @!p0 s1  }
0x7b: {  	[bflag:$0x3] =	sbarrier.arrive $0xFFFF  }
0x7c: {  	_ =	shalt  }

</sc_bundles>
